<compile_context>
chip_gen: v7x
topology: tpu7x:2x2x1
jax: 0.10.2.dev20260603
libtpu: 0.0.44.dev20260713+nightly
codegen_flags: <defaults>
</compile_context>

<pallas_src>
import functools

import jax
import jax.numpy as jnp
from jax import lax
from jax.experimental import pallas as pl
from jax.experimental.pallas import tpu as pltpu
from jax.experimental.pallas import tpu_sc as plsc

_TOKEN_BLOCK = 256
_NUM_CORES = 2
_NUM_SUBCORES = 16


def _sc_row_gather(table, idx):
    n, d = table.shape
    b = idx.shape[0]
    nw = _NUM_CORES * _NUM_SUBCORES
    b_per_w = b // nw
    mesh = plsc.VectorSubcoreMesh(core_axis_name="c", subcore_axis_name="s")

    @functools.partial(
        pl.kernel,
        mesh=mesh,
        out_type=jax.ShapeDtypeStruct((b, d), table.dtype),
        scratch_types=[
            pltpu.VMEM((b_per_w,), jnp.int32),
            pltpu.VMEM((b_per_w, d), table.dtype),
            pltpu.SemaphoreType.DMA,
        ],
    )
    def k(table_hbm, idx_hbm, out_hbm, idx_v, rows_v, sem):
        wid = lax.axis_index("s") * _NUM_CORES + lax.axis_index("c")
        base = wid * b_per_w
        pltpu.sync_copy(idx_hbm.at[pl.ds(base, b_per_w)], idx_v)
        pltpu.async_copy(table_hbm.at[idx_v], rows_v, sem).wait()
        pltpu.sync_copy(rows_v, out_hbm.at[pl.ds(base, b_per_w)])

    return k(table, idx)


def _sc_row_scatter(src, idx, n_out):
    b, d = src.shape
    nw = _NUM_CORES * _NUM_SUBCORES
    b_per_w = b // nw
    mesh = plsc.VectorSubcoreMesh(core_axis_name="c", subcore_axis_name="s")

    @functools.partial(
        pl.kernel,
        mesh=mesh,
        out_type=jax.ShapeDtypeStruct((n_out, d), src.dtype),
        scratch_types=[
            pltpu.VMEM((b_per_w,), jnp.int32),
            pltpu.VMEM((b_per_w, d), src.dtype),
            pltpu.SemaphoreType.DMA,
        ],
    )
    def k(src_hbm, idx_hbm, out_hbm, idx_v, rows_v, sem):
        wid = lax.axis_index("s") * _NUM_CORES + lax.axis_index("c")
        base = wid * b_per_w
        pltpu.sync_copy(idx_hbm.at[pl.ds(base, b_per_w)], idx_v)
        pltpu.sync_copy(src_hbm.at[pl.ds(base, b_per_w)], rows_v)
        pltpu.async_copy(rows_v, out_hbm.at[idx_v], sem).wait()

    return k(src, idx)


_W_STREAMS = 3


def _grouped_matmul(Xs, W, tile_g, expert_g, ls_g, le_g, first_g):
    T, din = Xs.shape
    E, dout, _ = W.shape
    B = _TOKEN_BLOCK
    G = tile_g.shape[0]
    K = _W_STREAMS
    dk = dout // K
    Wk = W.reshape(E, K, dk, din)

    def body(tile_r, exp_r, ls_r, le_r, first_r, x_ref, *rest):
        w_refs, o_ref = rest[:K], rest[K]
        g = pl.program_id(0)

        @pl.when(first_r[g] == 1)
        def _():
            o_ref[...] = jnp.zeros_like(o_ref)

        @pl.when(ls_r[g] < le_r[g])
        def _():
            x = x_ref[...].astype(jnp.bfloat16)
            rows = lax.broadcasted_iota(jnp.int32, (B, 1), 0)
            mask = (rows >= ls_r[g]) & (rows < le_r[g])
            for j in range(K):
                p = lax.dot_general(
                    x, w_refs[j][0, 0].astype(jnp.bfloat16),
                    (((1,), (1,)), ((), ())),
                    preferred_element_type=jnp.float32,
                )
                o_ref[:, j * dk:(j + 1) * dk] += jnp.where(mask, p, 0.0)

    def _w_spec(j):
        return pl.BlockSpec(
            (1, 1, dk, din),
            lambda g, t, e, s, en, f, j=j: (e[g], j, 0, 0))

    grid_spec = pltpu.PrefetchScalarGridSpec(
        num_scalar_prefetch=5,
        grid=(G,),
        in_specs=[
            pl.BlockSpec((B, din), lambda g, t, e, s, en, f: (t[g], 0)),
        ] + [_w_spec(j) for j in range(K)],
        out_specs=pl.BlockSpec((B, dout), lambda g, t, e, s, en, f: (t[g], 0)),
    )
    return pl.pallas_call(
        body,
        grid_spec=grid_spec,
        out_shape=jax.ShapeDtypeStruct((T, dout), jnp.float32),
        compiler_params=pltpu.CompilerParams(
            dimension_semantics=("arbitrary",)),
    )(tile_g, expert_g, ls_g, le_g, first_g, Xs, *([Wk] * K))


def kernel(X, W, indices):
    bs, S, din = X.shape
    E, dout, _ = W.shape
    T = bs * S
    B = _TOKEN_BLOCK
    num_tiles = T // B
    G = num_tiles + E - 1

    Xf = X.reshape(T, din)
    idxf = indices.reshape(T).astype(jnp.int32)

    nw = _NUM_CORES * _NUM_SUBCORES
    cs = T // nw
    idx2 = idxf.reshape(nw, cs)
    oh = (idx2[:, :, None] == jnp.arange(E, dtype=jnp.int32)[None, None, :])
    chunk_hist = jnp.sum(oh.astype(jnp.int32), axis=1)
    counts = jnp.sum(chunk_hist, axis=0)
    offsets = jnp.concatenate(
        [jnp.zeros(1, jnp.int32), jnp.cumsum(counts, dtype=jnp.int32)])
    exc = jnp.concatenate(
        [jnp.zeros((1, E), jnp.int32),
         jnp.cumsum(chunk_hist, axis=0, dtype=jnp.int32)[:-1]], axis=0)
    prefix = offsets[None, :E] + exc
    eq = (idx2[:, :, None] == idx2[:, None, :])
    tri = (jnp.arange(cs)[None, :, None] > jnp.arange(cs)[None, None, :])
    rank = jnp.sum((eq & tri).astype(jnp.int32), axis=2)
    pref_tok = jnp.take_along_axis(prefix, idx2, axis=1)
    pos = (pref_tok + rank).reshape(T).astype(jnp.int32)

    first_tile = offsets[:-1] // B
    last_tile = jnp.maximum(offsets[1:] - 1, 0) // B
    ntiles = jnp.where(counts > 0, last_tile - first_tile + 1, 0)
    cum = jnp.cumsum(ntiles, dtype=jnp.int32)
    M = cum[-1]

    g = jnp.arange(G, dtype=jnp.int32)
    real = g < M
    e_g = jnp.minimum(
        jnp.searchsorted(cum, g, side="right").astype(jnp.int32), E - 1)
    e_g = jnp.where(real, e_g, jnp.max(idxf))
    prev_steps = cum[e_g] - ntiles[e_g]
    t_g = jnp.where(real, first_tile[e_g] + (g - prev_steps),
                    num_tiles - 1).astype(jnp.int32)

    row_start = jnp.maximum(offsets[e_g], t_g * B)
    row_end = jnp.minimum(offsets[e_g + 1], (t_g + 1) * B)
    ls = jnp.where(real, row_start - t_g * B, 0).astype(jnp.int32)
    le = jnp.where(real, row_end - t_g * B, 0).astype(jnp.int32)

    t_prev = jnp.concatenate([jnp.full((1,), -1, jnp.int32), t_g[:-1]])
    first = (t_g != t_prev).astype(jnp.int32)

    Xs = _sc_row_scatter(Xf, pos, T)
    Ys = _grouped_matmul(Xs, W, t_g, e_g, ls, le, first)
    Yf = _sc_row_gather(Ys, pos)
    return Yf.reshape(bs, S, dout)

# --- scband reference (transcript-rebuilt; emitter-appended) ---
"""Pipeline reference for scband-indexed-mat-mul-56676388438552 (READ-ONLY COPY).

The authoritative reference and input builder live on the scoring server;
editing this copy changes nothing except your own understanding.
"""

import jax, jax.numpy as jnp
import numpy as np


def setup_inputs(seed: int = 0) -> dict:
    key = jax.random.key(seed)
    k1, k2, k3 = jax.random.split(key, 3)
    bs, S, d, E = 1, 2048, 768, 64
    X = jax.random.normal(k1, (bs, S, d), dtype=jnp.float32)
    std = d ** (-0.5)
    W = jax.random.truncated_normal(k2, -3.0, 3.0, (E, d, d), dtype=jnp.float32) * std
    indices = jax.random.randint(k3, (bs, S), 0, E, dtype=jnp.int32)
    return {"X": X, "W": W, "indices": indices}


def reference(X, W, indices):
    # Y[b, s, :] = X[b, s, :] @ W[indices[b, s]].T   (F.linear semantics, W is [E, out, in])
    bs, S, din = X.shape
    E, dout, _ = W.shape
    T = bs * S
    idxf = indices.reshape(T)
    Xf = X.reshape(T, din)

    def body(e, Y):
        Ye = Xf @ W[e].T
        mask = (idxf == e)[:, None]
        return jnp.where(mask, Ye, Y)

    Y_flat = jax.lax.fori_loop(0, E, body, jnp.zeros((T, dout), dtype=X.dtype))
    Y = Y_flat.reshape(bs, S, dout)
    return Y

if __name__ == "__main__":
    import jax
    _d = setup_inputs()
    print(jax.jit(kernel)(*tuple(_d.values())))

</pallas_src>

<mosaic_0001>
#map = affine_map<(d0, d1) -> (0, 0)>
#map1 = affine_map<(d0, d1) -> (0)>
module attributes {stable_mosaic.version = 14 : i64} {
  func.func @k(%arg0: i32, %arg1: i32, %arg2: memref<2048x768xf32, #tpu.memory_space<hbm>>, %arg3: memref<2048xi32, #tpu.memory_space<hbm>>, %arg4: memref<2048x768xf32, #tpu.memory_space<hbm>>, %arg5: memref<64xi32, #tpu.memory_space<vmem>>, %arg6: memref<64x768xf32, #tpu.memory_space<vmem>>, %arg7: memref<!tpu.dma_semaphore, #tpu.memory_space<semaphore_mem>>) attributes {dimension_semantics = [#tpu.dimension_semantics<core_parallel>, #tpu.dimension_semantics<subcore_parallel>], iteration_bounds = array<i64: 2, 16>, scalar_prefetch = 0 : i64, scratch_operands = 3 : i64, tpu.core_type = #tpu.core_type<sc_vector_subcore>, window_params = [{transform_indices = #map}, {transform_indices = #map1}, {transform_indices = #map}]} {
    %mul3A = arith.constant 2 : i32
    %mul3A_0 = arith.muli %arg1, %mul3A : i32
    %add3A = arith.addi %mul3A_0, %arg0 : i32
    %mul3A_1 = arith.constant 64 : i32
    %mul3A_2 = arith.muli %add3A, %mul3A_1 : i32
    "tpu.region"() ({
      %run_scoped3A = tpu.sem_alloc : memref<!tpu.dma_semaphore, #tpu.memory_space<semaphore_mem>>
      %dma_start3A_7 = tpu.memref_slice %arg3[%mul3A_2] : memref<2048xi32, #tpu.memory_space<hbm>> -> memref<64xi32, #tpu.memory_space<hbm>>
      %dma_start3A_8 = tpu.memref_slice %arg3[%mul3A_2] : memref<2048xi32, #tpu.memory_space<hbm>> -> memref<64xi32, #tpu.memory_space<hbm>>
      tpu.enqueue_dma source(%dma_start3A_8 : memref<64xi32, #tpu.memory_space<hbm>>) target(%arg5 : memref<64xi32, #tpu.memory_space<vmem>>) target_semaphore(%run_scoped3A : memref<!tpu.dma_semaphore, #tpu.memory_space<semaphore_mem>>)
      %dma_wait3A_9 = tpu.memref_slice %arg3[%mul3A_2] : memref<2048xi32, #tpu.memory_space<hbm>> -> memref<64xi32, #tpu.memory_space<hbm>>
      %dma_wait3A_10 = tpu.memref_slice %arg3[%mul3A_2] : memref<2048xi32, #tpu.memory_space<hbm>> -> memref<64xi32, #tpu.memory_space<hbm>>
      tpu.wait_dma2 semaphore(%run_scoped3A : memref<!tpu.dma_semaphore, #tpu.memory_space<semaphore_mem>>) src(%dma_wait3A_10 : memref<64xi32, #tpu.memory_space<hbm>>) dst(%arg5 : memref<64xi32, #tpu.memory_space<vmem>>)
      tpu.yield
    }) : () -> ()
    "tpu.region"() ({
      %run_scoped3A = tpu.sem_alloc : memref<!tpu.dma_semaphore, #tpu.memory_space<semaphore_mem>>
      %dma_start3A_7 = arith.constant 0 : i32
      %dma_start3A_8 = tpu.memref_slice %arg2[%mul3A_2, %dma_start3A_7] : memref<2048x768xf32, #tpu.memory_space<hbm>> -> memref<64x768xf32, #tpu.memory_space<hbm>>
      %dma_start3A_9 = arith.constant 0 : i32
      %dma_start3A_10 = tpu.memref_slice %arg2[%mul3A_2, %dma_start3A_9] : memref<2048x768xf32, #tpu.memory_space<hbm>> -> memref<64x768xf32, #tpu.memory_space<hbm>>
      tpu.enqueue_dma source(%dma_start3A_10 : memref<64x768xf32, #tpu.memory_space<hbm>>) target(%arg6 : memref<64x768xf32, #tpu.memory_space<vmem>>) target_semaphore(%run_scoped3A : memref<!tpu.dma_semaphore, #tpu.memory_space<semaphore_mem>>)
      %dma_wait3A_11 = arith.constant 0 : i32
      %dma_wait3A_12 = tpu.memref_slice %arg2[%mul3A_2, %dma_wait3A_11] : memref<2048x768xf32, #tpu.memory_space<hbm>> -> memref<64x768xf32, #tpu.memory_space<hbm>>
      %dma_wait3A_13 = arith.constant 0 : i32
      %dma_wait3A_14 = tpu.memref_slice %arg2[%mul3A_2, %dma_wait3A_13] : memref<2048x768xf32, #tpu.memory_space<hbm>> -> memref<64x768xf32, #tpu.memory_space<hbm>>
      tpu.wait_dma2 semaphore(%run_scoped3A : memref<!tpu.dma_semaphore, #tpu.memory_space<semaphore_mem>>) src(%dma_wait3A_14 : memref<64x768xf32, #tpu.memory_space<hbm>>) dst(%arg6 : memref<64x768xf32, #tpu.memory_space<vmem>>)
      tpu.yield
    }) : () -> ()
    %dma_start3A = arith.constant 0 : i32
    %dma_start3A_3 = arith.constant 0 : i32
    %dma_start3A_4 = tpu.memref_slice %arg4[%dma_start3A, %dma_start3A_3] : memref<2048x768xf32, #tpu.memory_space<hbm>> -> memref<2048x768xf32, #tpu.memory_space<hbm>>
    tpu.enqueue_indirect_dma source(%arg6 : memref<64x768xf32, #tpu.memory_space<vmem>>) target(%dma_start3A_4 : memref<2048x768xf32, #tpu.memory_space<hbm>>) offsets(%arg5 : memref<64xi32, #tpu.memory_space<vmem>>) semaphore(%arg7 : memref<!tpu.dma_semaphore, #tpu.memory_space<semaphore_mem>>)
    %dma_wait3A = arith.constant 0 : i32
    %dma_wait3A_5 = arith.constant 0 : i32
    %dma_wait3A_6 = tpu.memref_slice %arg4[%dma_wait3A, %dma_wait3A_5] : memref<2048x768xf32, #tpu.memory_space<hbm>> -> memref<2048x768xf32, #tpu.memory_space<hbm>>
    tpu.wait_indirect_dma semaphore(%arg7 : memref<!tpu.dma_semaphore, #tpu.memory_space<semaphore_mem>>) src(%arg6 : memref<64x768xf32, #tpu.memory_space<vmem>>) dst(%dma_wait3A_6 : memref<2048x768xf32, #tpu.memory_space<hbm>>)
    return
  }
}

#map = affine_map<(d0, d1) -> (0, 0)>
#map1 = affine_map<(d0, d1) -> (0)>
module attributes {stable_mosaic.version = 14 : i64} {
  func.func @k(%arg0: i32, %arg1: i32, %arg2: memref<2048x768xf32, #tpu.memory_space<hbm>>, %arg3: memref<2048xi32, #tpu.memory_space<hbm>>, %arg4: memref<2048x768xf32, #tpu.memory_space<hbm>>, %arg5: memref<64xi32, #tpu.memory_space<vmem>>, %arg6: memref<64x768xf32, #tpu.memory_space<vmem>>, %arg7: memref<!tpu.dma_semaphore, #tpu.memory_space<semaphore_mem>>) attributes {dimension_semantics = [#tpu.dimension_semantics<core_parallel>, #tpu.dimension_semantics<subcore_parallel>], iteration_bounds = array<i64: 2, 16>, scalar_prefetch = 0 : i64, scratch_operands = 3 : i64, tpu.core_type = #tpu.core_type<sc_vector_subcore>, window_params = [{transform_indices = #map}, {transform_indices = #map1}, {transform_indices = #map}]} {
    %mul3A = arith.constant 2 : i32
    %mul3A_0 = arith.muli %arg1, %mul3A : i32
    %add3A = arith.addi %mul3A_0, %arg0 : i32
    %mul3A_1 = arith.constant 64 : i32
    %mul3A_2 = arith.muli %add3A, %mul3A_1 : i32
    "tpu.region"() ({
      %run_scoped3A = tpu.sem_alloc : memref<!tpu.dma_semaphore, #tpu.memory_space<semaphore_mem>>
      %dma_start3A_7 = tpu.memref_slice %arg3[%mul3A_2] : memref<2048xi32, #tpu.memory_space<hbm>> -> memref<64xi32, #tpu.memory_space<hbm>>
      %dma_start3A_8 = tpu.memref_slice %arg3[%mul3A_2] : memref<2048xi32, #tpu.memory_space<hbm>> -> memref<64xi32, #tpu.memory_space<hbm>>
      tpu.enqueue_dma source(%dma_start3A_8 : memref<64xi32, #tpu.memory_space<hbm>>) target(%arg5 : memref<64xi32, #tpu.memory_space<vmem>>) target_semaphore(%run_scoped3A : memref<!tpu.dma_semaphore, #tpu.memory_space<semaphore_mem>>)
      %dma_wait3A_9 = tpu.memref_slice %arg3[%mul3A_2] : memref<2048xi32, #tpu.memory_space<hbm>> -> memref<64xi32, #tpu.memory_space<hbm>>
      %dma_wait3A_10 = tpu.memref_slice %arg3[%mul3A_2] : memref<2048xi32, #tpu.memory_space<hbm>> -> memref<64xi32, #tpu.memory_space<hbm>>
      tpu.wait_dma2 semaphore(%run_scoped3A : memref<!tpu.dma_semaphore, #tpu.memory_space<semaphore_mem>>) src(%dma_wait3A_10 : memref<64xi32, #tpu.memory_space<hbm>>) dst(%arg5 : memref<64xi32, #tpu.memory_space<vmem>>)
      tpu.yield
    }) : () -> ()
    %dma_start3A = arith.constant 0 : i32
    %dma_start3A_3 = arith.constant 0 : i32
    %dma_start3A_4 = tpu.memref_slice %arg2[%dma_start3A, %dma_start3A_3] : memref<2048x768xf32, #tpu.memory_space<hbm>> -> memref<2048x768xf32, #tpu.memory_space<hbm>>
    tpu.enqueue_indirect_dma source(%dma_start3A_4 : memref<2048x768xf32, #tpu.memory_space<hbm>>) target(%arg6 : memref<64x768xf32, #tpu.memory_space<vmem>>) offsets(%arg5 : memref<64xi32, #tpu.memory_space<vmem>>) semaphore(%arg7 : memref<!tpu.dma_semaphore, #tpu.memory_space<semaphore_mem>>)
    %dma_wait3A = arith.constant 0 : i32
    %dma_wait3A_5 = arith.constant 0 : i32
    %dma_wait3A_6 = tpu.memref_slice %arg2[%dma_wait3A, %dma_wait3A_5] : memref<2048x768xf32, #tpu.memory_space<hbm>> -> memref<2048x768xf32, #tpu.memory_space<hbm>>
    tpu.wait_indirect_dma semaphore(%arg7 : memref<!tpu.dma_semaphore, #tpu.memory_space<semaphore_mem>>) src(%dma_wait3A_6 : memref<2048x768xf32, #tpu.memory_space<hbm>>) dst(%arg6 : memref<64x768xf32, #tpu.memory_space<vmem>>)
    "tpu.region"() ({
      %run_scoped3A = tpu.sem_alloc : memref<!tpu.dma_semaphore, #tpu.memory_space<semaphore_mem>>
      %dma_start3A_7 = arith.constant 0 : i32
      %dma_start3A_8 = tpu.memref_slice %arg4[%mul3A_2, %dma_start3A_7] : memref<2048x768xf32, #tpu.memory_space<hbm>> -> memref<64x768xf32, #tpu.memory_space<hbm>>
      %dma_start3A_9 = arith.constant 0 : i32
      %dma_start3A_10 = tpu.memref_slice %arg4[%mul3A_2, %dma_start3A_9] : memref<2048x768xf32, #tpu.memory_space<hbm>> -> memref<64x768xf32, #tpu.memory_space<hbm>>
      tpu.enqueue_dma source(%arg6 : memref<64x768xf32, #tpu.memory_space<vmem>>) target(%dma_start3A_10 : memref<64x768xf32, #tpu.memory_space<hbm>>) target_semaphore(%run_scoped3A : memref<!tpu.dma_semaphore, #tpu.memory_space<semaphore_mem>>)
      %dma_wait3A_11 = arith.constant 0 : i32
      %dma_wait3A_12 = tpu.memref_slice %arg4[%mul3A_2, %dma_wait3A_11] : memref<2048x768xf32, #tpu.memory_space<hbm>> -> memref<64x768xf32, #tpu.memory_space<hbm>>
      %dma_wait3A_13 = arith.constant 0 : i32
      %dma_wait3A_14 = tpu.memref_slice %arg4[%mul3A_2, %dma_wait3A_13] : memref<2048x768xf32, #tpu.memory_space<hbm>> -> memref<64x768xf32, #tpu.memory_space<hbm>>
      tpu.wait_dma2 semaphore(%run_scoped3A : memref<!tpu.dma_semaphore, #tpu.memory_space<semaphore_mem>>) src(%arg6 : memref<64x768xf32, #tpu.memory_space<vmem>>) dst(%dma_wait3A_14 : memref<64x768xf32, #tpu.memory_space<hbm>>)
      tpu.yield
    }) : () -> ()
    return
  }
}

module attributes {stable_mosaic.version = 14 : i64} {
  func.func @body(%arg0: i32, %arg1: memref<71xi32, #tpu.memory_space<smem>>, %arg2: memref<71xi32, #tpu.memory_space<smem>>, %arg3: memref<71xi32, #tpu.memory_space<smem>>, %arg4: memref<71xi32, #tpu.memory_space<smem>>, %arg5: memref<71xi32, #tpu.memory_space<smem>>, %arg6: memref<256x768xf32, #tpu.memory_space<vmem>>, %arg7: memref<1x1x256x768xf32, #tpu.memory_space<vmem>>, %arg8: memref<1x1x256x768xf32, #tpu.memory_space<vmem>>, %arg9: memref<1x1x256x768xf32, #tpu.memory_space<vmem>>, %arg10: memref<256x768xf32, #tpu.memory_space<vmem>>) attributes {dimension_semantics = [#tpu.dimension_semantics<arbitrary>], iteration_bounds = array<i64: 71>, scalar_prefetch = 5 : i64, scratch_operands = 0 : i64, tpu.core_type = #tpu.core_type<tc>, window_params = [{transform_indices = @transform_0, window_bounds = array<i64: 256, 768>}, {transform_indices = @transform_1, window_bounds = array<i64: 1, 1, 256, 768>}, {transform_indices = @transform_2, window_bounds = array<i64: 1, 1, 256, 768>}, {transform_indices = @transform_3, window_bounds = array<i64: 1, 1, 256, 768>}, {transform_indices = @transform_4, window_bounds = array<i64: 256, 768>}]} {
    %get3A = arith.index_cast %arg0 : i32 to index
    %get3A_0 = memref.load %arg5[%get3A] : memref<71xi32, #tpu.memory_space<smem>>
    %eq3A = arith.constant 1 : i32
    %eq3A_1 = arith.cmpi eq, %get3A_0, %eq3A : i32
    %convert_element_type3A = arith.extui %eq3A_1 : i1 to i32
    %cond3A = arith.constant 0 : i32
    %cond3A_2 = arith.cmpi ne, %convert_element_type3A, %cond3A : i32
    scf.if %cond3A_2 {
      %broadcast_in_dim3A = arith.constant 0.000000e+00 : f32
      %broadcast_in_dim3A_10 = vector.broadcast %broadcast_in_dim3A : f32 to vector<256x768xf32>
      %swap3A = arith.constant 0 : index
      %swap3A_11 = arith.constant 0 : index
      %swap3A_12 = vector.load %arg10[%swap3A, %swap3A_11] : memref<256x768xf32, #tpu.memory_space<vmem>>, vector<256x768xf32>
      tpu.vector_store %arg10[%swap3A, %swap3A_11], %broadcast_in_dim3A_10 {strides = array<i32>} : memref<256x768xf32, #tpu.memory_space<vmem>>, vector<256x768xf32>,
    } else {
    }
    %get3A_3 = arith.index_cast %arg0 : i32 to index
    %get3A_4 = memref.load %arg3[%get3A_3] : memref<71xi32, #tpu.memory_space<smem>>
    %get3A_5 = arith.index_cast %arg0 : i32 to index
    %get3A_6 = memref.load %arg4[%get3A_5] : memref<71xi32, #tpu.memory_space<smem>>
    %lt3A = arith.cmpi slt, %get3A_4, %get3A_6 : i32
    %convert_element_type3A_7 = arith.extui %lt3A : i1 to i32
    %cond3A_8 = arith.constant 0 : i32
    %cond3A_9 = arith.cmpi ne, %convert_element_type3A_7, %cond3A_8 : i32
    scf.if %cond3A_9 {
      %get3A_10 = arith.constant 0 : index
      %get3A_11 = arith.constant 0 : index
      %get3A_12 = vector.load %arg6[%get3A_10, %get3A_11] : memref<256x768xf32, #tpu.memory_space<vmem>>, vector<256x768xf32>
      %convert_element_type3A_13 = arith.truncf %get3A_12 : vector<256x768xf32> to vector<256x768xbf16>
      %iota3A = tpu.iota {dimensions = array<i32: 0>} : vector<256x1xi32>
      %get3A_14 = arith.index_cast %arg0 : i32 to index
      %get3A_15 = memref.load %arg3[%get3A_14] : memref<71xi32, #tpu.memory_space<smem>>
      %ge3A = vector.broadcast %get3A_15 : i32 to vector<256x1xi32>
      %ge3A_16 = arith.cmpi sge, %iota3A, %ge3A : vector<256x1xi32>
      %get3A_17 = arith.index_cast %arg0 : i32 to index
      %get3A_18 = memref.load %arg4[%get3A_17] : memref<71xi32, #tpu.memory_space<smem>>
      %lt3A_19 = vector.broadcast %get3A_18 : i32 to vector<256x1xi32>
      %lt3A_20 = arith.cmpi slt, %iota3A, %lt3A_19 : vector<256x1xi32>
      %and3A = arith.andi %ge3A_16, %lt3A_20 : vector<256x1xi1>
      %get3A_21 = arith.constant 0 : index
      %get3A_22 = arith.constant 0 : index
      %get3A_23 = arith.constant 0 : index
      %get3A_24 = arith.constant 0 : index
      %get3A_25 = vector.load %arg7[%get3A_21, %get3A_22, %get3A_23, %get3A_24] : memref<1x1x256x768xf32, #tpu.memory_space<vmem>>, vector<1x1x256x768xf32>
      %get3A_26 = vector.shape_cast %get3A_25 : vector<1x1x256x768xf32> to vector<256x768xf32>
      %convert_element_type3A_27 = arith.truncf %get3A_26 : vector<256x768xf32> to vector<256x768xbf16>
      %dot_general3A = arith.constant dense<0.000000e+00> : vector<256x256xf32>
      %dot_general3A_28 = tpu.matmul %convert_element_type3A_13, %convert_element_type3A_27, %dot_general3A {dimension_numbers = #tpu.dot_dimension_numbers<[1], [1], [0], [0], [0, 0, 1, 0], [], []>, transpose_lhs_hint = false} : vector<256x768xbf16>, vector<256x768xbf16>, vector<256x256xf32> -> vector<256x256xf32>
      %get3A_29 = arith.constant 0 : index
      %get3A_30 = arith.constant 0 : index
      %get3A_31 = vector.load %arg10[%get3A_29, %get3A_30] : memref<256x768xf32, #tpu.memory_space<vmem>>, vector<256x256xf32>
      %jit3A = arith.constant 0.000000e+00 : f32
      %broadcast_in_dim3A = vector.shape_cast %and3A : vector<256x1xi1> to vector<256x1xi1>
      %broadcast_in_dim3A_32 = vector.broadcast %broadcast_in_dim3A : vector<256x1xi1> to vector<256x256xi1>
      %broadcast_in_dim3A_33 = vector.broadcast %jit3A : f32 to vector<256x256xf32>
      %select_n3A = arith.select %broadcast_in_dim3A_32, %dot_general3A_28, %broadcast_in_dim3A_33 : vector<256x256xi1>, vector<256x256xf32>
      %add3A = arith.addf %get3A_31, %select_n3A : vector<256x256xf32>
      %swap3A = arith.constant 0 : index
      %swap3A_34 = arith.constant 0 : index
      %swap3A_35 = vector.load %arg10[%swap3A, %swap3A_34] : memref<256x768xf32, #tpu.memory_space<vmem>>, vector<256x256xf32>
      tpu.vector_store %arg10[%swap3A, %swap3A_34], %add3A {strides = array<i32>} : memref<256x768xf32, #tpu.memory_space<vmem>>, vector<256x256xf32>,
      %get3A_36 = arith.constant 0 : index
      %get3A_37 = arith.constant 0 : index
      %get3A_38 = arith.constant 0 : index
      %get3A_39 = arith.constant 0 : index
      %get3A_40 = vector.load %arg8[%get3A_36, %get3A_37, %get3A_38, %get3A_39] : memref<1x1x256x768xf32, #tpu.memory_space<vmem>>, vector<1x1x256x768xf32>
      %get3A_41 = vector.shape_cast %get3A_40 : vector<1x1x256x768xf32> to vector<256x768xf32>
      %convert_element_type3A_42 = arith.truncf %get3A_41 : vector<256x768xf32> to vector<256x768xbf16>
      %dot_general3A_43 = arith.constant dense<0.000000e+00> : vector<256x256xf32>
      %dot_general3A_44 = tpu.matmul %convert_element_type3A_13, %convert_element_type3A_42, %dot_general3A_43 {dimension_numbers = #tpu.dot_dimension_numbers<[1], [1], [0], [0], [0, 0, 1, 0], [], []>, transpose_lhs_hint = false} : vector<256x768xbf16>, vector<256x768xbf16>, vector<256x256xf32> -> vector<256x256xf32>
      %get3A_45 = arith.constant 0 : index
      %get3A_46 = arith.constant 256 : index
      %get3A_47 = vector.load %arg10[%get3A_45, %get3A_46] : memref<256x768xf32, #tpu.memory_space<vmem>>, vector<256x256xf32>
      %jit3A_48 = arith.constant 0.000000e+00 : f32
      %broadcast_in_dim3A_49 = vector.shape_cast %and3A : vector<256x1xi1> to vector<256x1xi1>
      %broadcast_in_dim3A_50 = vector.broadcast %broadcast_in_dim3A_49 : vector<256x1xi1> to vector<256x256xi1>
      %broadcast_in_dim3A_51 = vector.broadcast %jit3A_48 : f32 to vector<256x256xf32>
      %select_n3A_52 = arith.select %broadcast_in_dim3A_50, %dot_general3A_44, %broadcast_in_dim3A_51 : vector<256x256xi1>, vector<256x256xf32>
      %add3A_53 = arith.addf %get3A_47, %select_n3A_52 : vector<256x256xf32>
      %swap3A_54 = arith.constant 0 : index
      %swap3A_55 = arith.constant 256 : index
      %swap3A_56 = vector.load %arg10[%swap3A_54, %swap3A_55] : memref<256x768xf32, #tpu.memory_space<vmem>>, vector<256x256xf32>
      tpu.vector_store %arg10[%swap3A_54, %swap3A_55], %add3A_53 {strides = array<i32>} : memref<256x768xf32, #tpu.memory_space<vmem>>, vector<256x256xf32>,
      %get3A_57 = arith.constant 0 : index
      %get3A_58 = arith.constant 0 : index
      %get3A_59 = arith.constant 0 : index
      %get3A_60 = arith.constant 0 : index
      %get3A_61 = vector.load %arg9[%get3A_57, %get3A_58, %get3A_59, %get3A_60] : memref<1x1x256x768xf32, #tpu.memory_space<vmem>>, vector<1x1x256x768xf32>
      %get3A_62 = vector.shape_cast %get3A_61 : vector<1x1x256x768xf32> to vector<256x768xf32>
      %convert_element_type3A_63 = arith.truncf %get3A_62 : vector<256x768xf32> to vector<256x768xbf16>
      %dot_general3A_64 = arith.constant dense<0.000000e+00> : vector<256x256xf32>
      %dot_general3A_65 = tpu.matmul %convert_element_type3A_13, %convert_element_type3A_63, %dot_general3A_64 {dimension_numbers = #tpu.dot_dimension_numbers<[1], [1], [0], [0], [0, 0, 1, 0], [], []>, transpose_lhs_hint = false} : vector<256x768xbf16>, vector<256x768xbf16>, vector<256x256xf32> -> vector<256x256xf32>
      %get3A_66 = arith.constant 0 : index
      %get3A_67 = arith.constant 512 : index
      %get3A_68 = vector.load %arg10[%get3A_66, %get3A_67] : memref<256x768xf32, #tpu.memory_space<vmem>>, vector<256x256xf32>
      %jit3A_69 = arith.constant 0.000000e+00 : f32
      %broadcast_in_dim3A_70 = vector.shape_cast %and3A : vector<256x1xi1> to vector<256x1xi1>
      %broadcast_in_dim3A_71 = vector.broadcast %broadcast_in_dim3A_70 : vector<256x1xi1> to vector<256x256xi1>
      %broadcast_in_dim3A_72 = vector.broadcast %jit3A_69 : f32 to vector<256x256xf32>
      %select_n3A_73 = arith.select %broadcast_in_dim3A_71, %dot_general3A_65, %broadcast_in_dim3A_72 : vector<256x256xi1>, vector<256x256xf32>
      %add3A_74 = arith.addf %get3A_68, %select_n3A_73 : vector<256x256xf32>
      %swap3A_75 = arith.constant 0 : index
      %swap3A_76 = arith.constant 512 : index
      %swap3A_77 = vector.load %arg10[%swap3A_75, %swap3A_76] : memref<256x768xf32, #tpu.memory_space<vmem>>, vector<256x256xf32>
      tpu.vector_store %arg10[%swap3A_75, %swap3A_76], %add3A_74 {strides = array<i32>} : memref<256x768xf32, #tpu.memory_space<vmem>>, vector<256x256xf32>,
    } else {
    }
    return
  }
  func.func @transform_0(%arg0: i32, %arg1: memref<71xi32, #tpu.memory_space<smem>>, %arg2: memref<71xi32, #tpu.memory_space<smem>>, %arg3: memref<71xi32, #tpu.memory_space<smem>>, %arg4: memref<71xi32, #tpu.memory_space<smem>>, %arg5: memref<71xi32, #tpu.memory_space<smem>>) -> (i32, i32) {
    %get3A = arith.index_cast %arg0 : i32 to index
    %get3A_0 = memref.load %arg1[%get3A] : memref<71xi32, #tpu.memory_space<smem>>
    %c0_i32 = arith.constant 0 : i32
    %c0_i32_1 = arith.constant 0 : i32
    return %get3A_0, %c0_i32 : i32, i32
  }
  func.func @transform_1(%arg0: i32, %arg1: memref<71xi32, #tpu.memory_space<smem>>, %arg2: memref<71xi32, #tpu.memory_space<smem>>, %arg3: memref<71xi32, #tpu.memory_space<smem>>, %arg4: memref<71xi32, #tpu.memory_space<smem>>, %arg5: memref<71xi32, #tpu.memory_space<smem>>) -> (i32, i32, i32, i32) {
    %get3A = arith.index_cast %arg0 : i32 to index
    %get3A_0 = memref.load %arg2[%get3A] : memref<71xi32, #tpu.memory_space<smem>>
    %c0_i32 = arith.constant 0 : i32
    %c0_i32_1 = arith.constant 0 : i32
    %c0_i32_2 = arith.constant 0 : i32
    %c0_i32_3 = arith.constant 0 : i32
    return %get3A_0, %c0_i32, %c0_i32_1, %c0_i32_2 : i32, i32, i32, i32
  }
  func.func @transform_2(%arg0: i32, %arg1: memref<71xi32, #tpu.memory_space<smem>>, %arg2: memref<71xi32, #tpu.memory_space<smem>>, %arg3: memref<71xi32, #tpu.memory_space<smem>>, %arg4: memref<71xi32, #tpu.memory_space<smem>>, %arg5: memref<71xi32, #tpu.memory_space<smem>>) -> (i32, i32, i32, i32) {
    %get3A = arith.index_cast %arg0 : i32 to index
    %get3A_0 = memref.load %arg2[%get3A] : memref<71xi32, #tpu.memory_space<smem>>
    %c1_i32 = arith.constant 1 : i32
    %c0_i32 = arith.constant 0 : i32
    %c0_i32_1 = arith.constant 0 : i32
    %c0_i32_2 = arith.constant 0 : i32
    return %get3A_0, %c1_i32, %c0_i32, %c0_i32_1 : i32, i32, i32, i32
  }
  func.func @transform_3(%arg0: i32, %arg1: memref<71xi32, #tpu.memory_space<smem>>, %arg2: memref<71xi32, #tpu.memory_space<smem>>, %arg3: memref<71xi32, #tpu.memory_space<smem>>, %arg4: memref<71xi32, #tpu.memory_space<smem>>, %arg5: memref<71xi32, #tpu.memory_space<smem>>) -> (i32, i32, i32, i32) {
    %get3A = arith.index_cast %arg0 : i32 to index
    %get3A_0 = memref.load %arg2[%get3A] : memref<71xi32, #tpu.memory_space<smem>>
    %c2_i32 = arith.constant 2 : i32
    %c0_i32 = arith.constant 0 : i32
    %c0_i32_1 = arith.constant 0 : i32
    %c0_i32_2 = arith.constant 0 : i32
    return %get3A_0, %c2_i32, %c0_i32, %c0_i32_1 : i32, i32, i32, i32
  }
  func.func @transform_4(%arg0: i32, %arg1: memref<71xi32, #tpu.memory_space<smem>>, %arg2: memref<71xi32, #tpu.memory_space<smem>>, %arg3: memref<71xi32, #tpu.memory_space<smem>>, %arg4: memref<71xi32, #tpu.memory_space<smem>>, %arg5: memref<71xi32, #tpu.memory_space<smem>>) -> (i32, i32) {
    %get3A = arith.index_cast %arg0 : i32 to index
    %get3A_0 = memref.load %arg1[%get3A] : memref<71xi32, #tpu.memory_space<smem>>
    %c0_i32 = arith.constant 0 : i32
    %c0_i32_1 = arith.constant 0 : i32
    return %get3A_0, %c0_i32 : i32, i32
  }
}

</mosaic_0001>

<sc_bundles>
// kernel: gather_offload_async_start
scs
__scs_entry_jumppad:
0x0: {  	(pc) =	sbr.rel $0x88, $3  }
0x1: {  	(tag) =	ssettag $0x0;
	lr =	simm.s32 $0x1  }
0x2: {  	[smem:$0x3F9E] =	sst lr;
	_ =	strace $0xD0000000  }
0x3: {  	_ = 	snop  }
0x4: {  	_ = 	snop  }
0x5: {  	_ = 	snop  }
0x6: {  	_ = 	snop  }
0x7: {  	_ = 	snop  }
__scs_overlays_trampoline_lowered:
0x8: {  	[smem:$0x3FAD] =	sst s0  }
0x9: {  	[smem:$0x3FAE] =	sst s1  }
0xa: {  	[smem:$0x3FAF] =	sst s2  }
0xb: {  	[smem:$0x3FB0] =	sst s3  }
0xc: {  	[smem:$0x3FB1] =	sst s4  }
0xd: {  	[smem:$0x3FB2] =	sst s5  }
0xe: {  	[smem:$0x3FB3] =	sst s6  }
0xf: {  	[smem:$0x3FB4] =	sst s7  }
0x10: {  	[smem:$0x3FB5] =	sst s8  }
0x11: {  	[smem:$0x3FB6] =	sst s9;
	s0 =	simm.s32 @!p0 $0x0  }
0x12: {  	s1 =	sld [smem:$0x3F9C];
	s0 =	simm.s32 @p0 $0x1  }
0x13: {  	[smem:$0x3FB7] =	sst s0;
	s0 =	simm.s32 @!p1 $0x0  }
0x14: {  	s2 =	sld [smem:$0x3F9B];
	s0 =	simm.s32 @p1 $0x1  }
0x15: {  	[smem:$0x3FB8] =	sst s0;
	s0 =	simm.s32 @!p2 $0x0  }
0x16: {  	s3 =	sld [smem:$0x3FDB];
	s0 =	simm.s32 @p2 $0x1  }
0x17: {  	s4 =	simm.s32 $0x1BF5;
	[smem:$0x3FBA] =	sst s0  }
0x18: {  	s0 =	sld [smem:$0x3F9D];
	_ =	swait.ge [sflag:s4], $0x0  }
0x19: {  	s7 =	sld [smem:$0x3F9E]  }
0x1a: {  	s8 =	sadd.s32 $0xFFFFE003, lr  }
0x1b: {  	s9 =	sadd.s32 $0xFFFFFEF7, lr;
	s5 =	simm.s32 $0xFFFFFFFF;
	p2 =	slt.u32 s8, $0xFFFFF086  }
0x1c: {  	p1 =	slt.u32 s9, $0xF7A;
	s5 =	simm.s32 @!p2 $0x0  }
0x1d: {  	s5 =	simm.s32 @p1 $0x1;
	p0 =	seq.s32 s7, s2  }
0x1e: {  	s7 =	smul.u32 @!p0 $0xF7A, s2;
	p2 =	seq.s32 @!p0 s5, $0x0  }
0x1f: {  	s9 =	smul.u32 $0xF7A, s1;
	s8 =	simm.s32 @!p0 $0x1BF5;
	p2 =	por !p2, p0  }
0x20: {  	[sflag:s8] =	ssyncset.s32 @!p0 $0xFFFFF086;
	s6 =	sadd.s32 @!p0 s3, s7;
	s7 =	simm.s32 @!p0 $0x108  }
0x21: {  	s3 =	sadd.s32 s3, s9;
	s6 =	sadd.s32 @!p0 $0x88, s6;
	s7 =	simm.s32 @p2 $0x1082  }
0x22: {  	[simem:s7], [sflag:s8] =	dma.local @!p0 [hbm:s6], $0xF7A  }
0x23: {  	s9 =	sor.u32 $0xD0000000, s2;
	s6 =	simm.s32 $0x108;
	_ =	swait.ge @!p0 [sflag:s8], $0x0  }
0x24: {  	s3 =	sadd.s32 $0x88, s3;
	s6 =	simm.s32 @!p1 $0x1082;
	[sflag:s4] =	ssyncset.s32 $0xFFFFF086  }
0x25: {  	[simem:s6], [sflag:s4] =	dma.local [hbm:s3], $0xF7A  }
0x26: {  	[smem:$0x3F9E] =	sst s1;
	(tag) =	ssettag s2;
	_ =	strace s9  }
0x27: {  	s1 =	sld [smem:$0x3FAE]  }
0x28: {  	s2 =	sld [smem:$0x3FAF]  }
0x29: {  	s4 =	sld [smem:$0x3FB1]  }
0x2a: {  	p0 =	seq.s32 s5, $0x0;
	s5 =	sld [smem:$0x3FB2]  }
0x2b: {  	s6 =	sld [smem:$0x3FB3]  }
0x2c: {  	s7 =	sld [smem:$0x3FB4]  }
0x2d: {  	s3 =	simm.s32 $0x108;
	s8 =	sld [smem:$0x3FB5]  }
0x2e: {  	s3 =	simm.s32 @!p0 $0x1082;
	s9 =	sld [smem:$0x3FB6]  }
0x2f: {  	lr =	sadd.s32 s0, s3;
	s0 =	sld [smem:$0x3FAD]  }
0x30: {  	s3 =	sld [smem:$0x3FB0]  }
0x31: {  	[smem:$0x3FB9] =	sst s10  }
0x32: {  	s10 =	sld [smem:$0x3FB7];
	_ =	sdelay $0x3  }
0x33: {  	p0 =	seq.s32 s10, $0x1;
	s10 =	sld [smem:$0x3FB9];
	_ =	sdelay $0x3  }
0x34: {  	[smem:$0x3FB9] =	sst s10  }
0x35: {  	s10 =	sld [smem:$0x3FB8];
	_ =	sdelay $0x3  }
0x36: {  	p1 =	seq.s32 s10, $0x1;
	s10 =	sld [smem:$0x3FB9];
	_ =	sdelay $0x3  }
0x37: {  	[smem:$0x3FB9] =	sst s10  }
0x38: {  	s10 =	sld [smem:$0x3FBA]  }
0x39: {  	_ = 	snop;
	(pc) =	sbr.ind lr, $3  }
0x3a: {  	_ = 	snop  }
0x3b: {  	_ = 	snop  }
0x3c: {  	p2 =	seq.s32 s10, $0x1;
	s10 =	sld [smem:$0x3FB9]  }
0x3d: {  	_ =	shalt  }
0x3e: {  	_ =	shalt  }
0x3f: {  	_ =	shalt  }
0x40: {  	_ =	shalt  }
0x41: {  	_ =	shalt  }
0x42: {  	_ =	shalt  }
0x43: {  	_ =	shalt  }
0x44: {  	_ =	shalt  }
0x45: {  	_ =	shalt  }
0x46: {  	_ =	shalt  }
0x47: {  	_ =	shalt  }
0x48: {  	_ =	shalt  }
0x49: {  	_ =	shalt  }
0x4a: {  	_ =	shalt  }
0x4b: {  	_ =	shalt  }
0x4c: {  	_ =	shalt  }
0x4d: {  	_ =	shalt  }
0x4e: {  	_ =	shalt  }
0x4f: {  	_ =	shalt  }
0x50: {  	_ =	shalt  }
0x51: {  	_ =	shalt  }
0x52: {  	_ =	shalt  }
0x53: {  	_ =	shalt  }
0x54: {  	_ =	shalt  }
0x55: {  	_ =	shalt  }
0x56: {  	_ =	shalt  }
0x57: {  	_ =	shalt  }
0x58: {  	_ =	shalt  }
0x59: {  	_ =	shalt  }
0x5a: {  	_ =	shalt  }
0x5b: {  	_ =	shalt  }
0x5c: {  	_ =	shalt  }
0x5d: {  	_ =	shalt  }
0x5e: {  	_ =	shalt  }
0x5f: {  	_ =	shalt  }
0x60: {  	_ =	shalt  }
0x61: {  	_ =	shalt  }
0x62: {  	_ =	shalt  }
0x63: {  	_ =	shalt  }
0x64: {  	_ =	shalt  }
0x65: {  	_ =	shalt  }
0x66: {  	_ =	shalt  }
0x67: {  	_ =	shalt  }
0x68: {  	_ =	shalt  }
0x69: {  	_ =	shalt  }
0x6a: {  	_ =	shalt  }
0x6b: {  	_ =	shalt  }
0x6c: {  	_ =	shalt  }
0x6d: {  	_ =	shalt  }
0x6e: {  	_ =	shalt  }
0x6f: {  	_ =	shalt  }
0x70: {  	_ =	shalt  }
0x71: {  	_ =	shalt  }
0x72: {  	_ =	shalt  }
0x73: {  	_ =	shalt  }
0x74: {  	_ =	shalt  }
0x75: {  	_ =	shalt  }
0x76: {  	_ =	shalt  }
0x77: {  	_ =	shalt  }
0x78: {  	_ =	shalt  }
0x79: {  	_ =	shalt  }
0x7a: {  	_ =	shalt  }
0x7b: {  	_ =	shalt  }
0x7c: {  	_ =	shalt  }
0x7d: {  	_ =	shalt  }
0x7e: {  	_ =	shalt  }
0x7f: {  	_ =	shalt  }
0x80: {  	_ =	shalt  }
0x81: {  	_ =	shalt  }
0x82: {  	_ =	shalt  }
0x83: {  	_ =	shalt  }
0x84: {  	_ =	shalt  }
0x85: {  	_ =	shalt  }
0x86: {  	_ =	shalt  }
0x87: {  	_ =	shalt  }
.Lfunc_end0:
.L_simem_size_0:
called_computation_lowered:
.L_overlay_start_0:
0x88: {  	s2 =	sld [smem:$0x3FD9]  }
0x89: {  	s3 =	sld [smem:$0x3FFE];
	_ =	sdelay $0x1  }
0x8a: {  	s1 =	srdreg.scid  }
0x8b: {  	s0 =	sand.u32 $0x1, s1  }
0x8c: {  	s17 =	sshll.u32 s0, $0xA;
	s2 =	sadd.s32 s3, s2  }
0x8d: {  	s2 =	sadd.s32 s2, s17  }
0x8e: {  	[smem:$0x3FC5] =	sst s2  }
0x8f: {  	_ = 	snop  }
0x90: {  	s2 =	sld [smem:$0x3FD0];
	(tm) =	ssettm $0x1  }
0x91: {  	s18 =	sld [smem:$0x3FFB];
	_ =	sdelay $0x3  }
0x92: {  	_ =	strace s18  }
0x93: {  	s3 =	sld [smem:$0x3FFC];
	_ =	sdelay $0x3  }
0x94: {  	_ =	strace s3  }
0x95: {  	s3 =	sld [smem:$0x3FFD];
	_ =	sdelay $0x3  }
0x96: {  	_ =	strace s3  }
0x97: {  	_ =	strace $0x8FFFFFFF  }
0x98: {  	s19 =	sld [smem:$0x3FDB];
	_ =	sdelay $0x1  }
0x99: {  	s4 =	simm.s32 $_scs_section_size  }
0x9a: {  	s5 =	simm.s32 $_size__tile_overlayer_lowered;
	s6 =	simm.s32 $_tile_overlayer_lowered  }
0x9b: {  	s22 =	simm.s32 $0x1BFF;
	s21 =	sshll.u32 s6, $0x1;
	s3 =	sadd.s32 s4, s19  }
0x9c: {  	s7 =	simm.s32 $0x0;
	s20 =	sshll.u32 s5, $0x1;
	s5 =	sadd.s32 s21, s3  }
0x9d: {  	[timem:s7], [sflag:s22] =	dma.local [hbm:s5], s20  }
0x9e: {  	_ =	swait.ge [sflag:s22], s20  }
0x9f: {  	s4 =	ssub.s32 $0x0, s20;
	[sflag:s22] =	ssyncset.done $0x0  }
0xa0: {  	[sflag:s22] =	ssyncadd.s32 s4;
	_ =	sdelay $0x1  }
0xa1: {  	s23 =	simm.s32 $0x1B8B  }
0xa2: {  	_ =	swait.ge [sflag:s23], $0x1  }
0xa3: {  	[sflag:s23] =	ssyncset.done $0x0  }
0xa4: {  	s25 =	simm.s32 $0x1B8E;
	s24 =	sld [smem:$0x3FFE];
	[sflag:s23] =	ssyncadd.s32 $0xFFFFFFFF  }
0xa5: {  	s26 =	simm.s32 $execute0_lowered;
	[smem:$0x3FD2] =	sst s25  }
0xa6: {  	s5 =	sshll.u32 s26, $0x1;
	_ =	strace $0x80000046;
	[dreg:$0x1] =	wrdreg $0xFFFFFFFF  }
0xa7: {  	s28 =	simm.s32 $_size_execute0_lowered;
	s3 =	sadd.s32 s3, s5;
	[dreg:$0x0] =	wrdreg $0x0  }
0xa8: {  	s5 =	sshll.u32 s28, $0x1;
	[dreg:$0x2] =	wrdreg s3  }
0xa9: {  	[dreg:$0x3] =	wrdreg s5  }
0xaa: {  	[dreg:$0x4] =	wrdreg $0xC0  }
0xab: {  	_ =	task [dreg:s7], $0x5FFFF  }
0xac: {  	[dreg:$0x1] =	wrdreg $0xFFFFFFFF  }
0xad: {  	[dreg:$0x0] =	wrdreg $0x60  }
0xae: {  	[dreg:$0x2] =	wrdreg s2  }
0xaf: {  	[dreg:$0x3] =	wrdreg s24  }
0xb0: {  	[dreg:$0x4] =	wrdreg $0x9  }
0xb1: {  	_ =	task.clear_ibuf [dreg:s7], $0x5FFFF;
	_ =	strace $0x90000046  }
0xb2: {  	s29 =	simm.s32 $0x9;
	_ =	strace $0x80000048  }
0xb3: {  	_ =	swait.ge [sflag:s29], $0x1  }
0xb4: {  	[sflag:s29] =	ssyncadd.s32 $0xFFFFFFFF  }
0xb5: {  	_ =	strace $0x90000048  }
0xb6: {  	_ =	sfence  }
0xb7: {  	s30 =	sld [smem:$0x0];
	_ =	sdelay $0x2  }
0xb8: {  	s31 =	sshll.u32 s1, $0xD;
	s1 =	sshrl.u32 s1, $0x2  }
0xb9: {  	s3 =	sand.u32 $0x4000, s31;
	s1 =	sadd.s32 s1, s30  }
0xba: {  	s0 =	sor.u32 s3, s0;
	s1 =	sshll.u32 s1, $0x11  }
0xbb: {  	s0 =	sor.u32 s1, s0  }
0xbc: {  	s0 =	sadd.s32 $0x8F2B, s0  }
0xbd: {  	[sflag:s0] =	ssyncadd.remote.s32 $0x1  }
0xbe: {  	_ =	sfence.sel $0xFFFF  }
0xbf: {  	[dreg:$0x0] =	wrdreg $0xFFFFFFFF;
	(pc) =	sbr.abs _section_cstart, $3  }
0xc0: {  	[dreg:$0x1] =	wrdreg $0xFFFFFFFF  }
0xc1: {  	_ =	task.clear_ibuf [dreg:s7], $0x2FFFF;
	_ =	strace $0x9FFFFFFF  }
0xc2: {  	(tm) =	ssettm $0x7FFFFFFF  }
0xc3: {  	_ =	shalt  }
tec
execute0_lowered:
.L_overlay_start_1:
0x0: {  	(tag) =	ssettag $0x1  }
0x1: {  	s1 =	srdreg.scid;
	s2 =	rddreg [dreg:$0x0]  }
0x2: {  	s0 =	stileid.u32;
	s8 =	rddreg [dreg:$0x1]  }
0x3: {  	s5 =	simm.s32 $0x1;
	s9 =	simm.s32 $0x1;
	s1 =	sshll.u32 s1, $0x5  }
0x4: {  	s10 =	simm.s32 $0x3;
	s3 =	sshll.u32 s0, $0x6;
	s4 =	sand.u32 $0x20, s1  }
0x5: {  	s13 =	simm.s32 $0x0;
	s12 =	simm.s32 $0x0;
	s3 =	sor.u32 s3, s4  }
0x6: {  	s1 =	rddreg [dreg:$0x2];
	_ =	strace $0x80000047;
	s7 =	ssub.s32 $0x800, s3  }
.Ltmp0:
0x7: {  	s4 =	sadd.s32 $0x200, s8;
	s6 =	sand.u32 $0x3E0, s7;
	(pc) =	sbr.rel .LBB2_1-.Ltmp0, $4  }
0x8: {  	[sflag:s5] =	ssyncpa.u1 $0x0;
	s8 =	sadd.s32 $0x400, s8;
	p0 =	sne.s32 s6, $0x0  }
0x9: {  	s7 =	sshrl.u32 s7, $0xA;
	s6 =	simm.s32 $0x2;
	s9 =	simm.s32 @!p0 $0x0  }
0xa: {  	s11 =	smov.u32 s3;
	[sflag:s6] =	ssyncpa.u1 $0x0;
	s7 =	sadd.s32 s9, s7  }
0xb: {  	vm0 =	vmmov $0xffff;
	[sflag:s10] =	ssyncpa.u1 $0x0;
	s10 =	simm.s32 $0x0;
	s9 =	sadd.s32 $0x1, s7  }
.LBB2_5:
0xc: {  	s15 =	sadd.s32 $0x400, s11  }
0xd: {  	p1 =	sgt.s32 s15, $0x7FF  }
0xe: {  	s15 =	smov.u32 @p1 s3;
	p1 =	sne.s32 s12, s9  }
.Ltmp1:
0xf: {  	p0 =	slt.u32 s12, $0x2;
	(pc) =	sbr.rel @!p1 .LBB2_6-.Ltmp1, $4  }
0x10: {  	s14 =	simm.s32 @!p0 $0x3  }
0x11: {  	_ =	swait.ge @!p0 [sflag:s14], $0x20  }
0x12: {  	s16 =	sadd.s32 $0x1, s12;
	s13 =	smov.u32 s11;
	[sflag:s14] =	ssyncset.done @!p0 $0x0  }
0x13: {  	s12 =	smov.u32 s16;
	s11 =	smov.u32 s15;
	[sflag:s14] =	ssyncadd.s32 @!p0 $0xFFFFFFE0  }
.LBB2_1:
0x14: {  	p0 =	sge.u32 s12, s7  }
0x15: {  	s14 =	sxor.u32 @!p0 $0xFFFFFFFF, s12  }
0x16: {  	s31 =	sadd.s32 $0xFFFFFFFF, s12;
	s15 =	sshrl.u32 @!p0 s11, $0x3;
	s14 =	sshll.u32 @!p0 s14, $0x5  }
0x17: {  	s16 =	sand.u32 @!p0 $0x7, s11;
	s15 =	sadd.s32 @!p0 s4, s15;
	s14 =	sand.u32 @!p0 $0x20, s14  }
0x18: {  	[tilespmem:s14], [sflag:$0x2] =	stream.linear.gather @!p0 [hbm4b:s15+s16], $0x20, $0x38;
	[tilespmem:$0x80] =	vst v63  }
0x19: {  	p0 =	sge.u32 s31, s7  }
.Ltmp2:
0x1a: {  	_ = 	snop;
	(pc) =	sbr.rel @p0 .LBB2_5-.Ltmp2, $1  }
0x1b: {  	_ =	sdelay $0x3  }
0x1c: {  	_ =	swait.ge [sflag:s6], $0x20;
	s14 =	sshll.u32 s12, $0x5;
	s16 =	simm.s32 $0x0  }
0x1d: {  	p0 =	por $0x1, $0x1;
	[sflag:s6] =	ssyncset.done $0x0;
	s15 =	sand.u32 $0x20, s14  }
0x1e: {  	[sflag:s6] =	ssyncadd.s32 $0xFFFFFFE0;
	(ifvalue) =	ssetifvalue $0x7FFFFFFF;
	s14 =	sor.u32 $0x40, s15  }
.LBB2_3:
0x1f: {  	s17 =	sadd.s32 s16, s15  }
0x20: {  	v0 =	vld.msk [tilespmem:s17+$0x0 ss:$0x1], $0xffff;
	_ =	sdelay $0x4  }
0x21: {  	v1 =	vshrl.u32 v0, $0x5;
	v2 =	vshll.u32 v0, $0x7  }
0x22: {  	vm1 =	veq.s32 v0, $0x80000000;
	v61 =	vand.u32 $0x3F, v1;
	v62 =	vand.u32 $0xF80, v2  }
0x23: {  	v0 =	vsel vm1, $0xFFFFFFFF, v61;
	v1 =	vsel vm1, $0xFFFFFF80, v62  }
0x24: {  	v63 =	vand.u32 $0xFFFFFC00, v1;
	v3 =	vand.u32 $0xFFFFFC00, v0  }
0x25: {  	v1 =	vand.u32 $0x380, v1;
	v2 =	vadd.s32 v3, v63  }
0x26: {  	v0 =	vand.u32 $0x7F, v0;
	v1 =	vor.u32 v1, v2  }
0x27: {  	p1 =	por p0, p0;
	v0 =	vor.u32 v0, v1  }
.Ltmp3:
0x28: {  	_ = 	snop;
	(pc) =	sbr.rel @p1 .LBB2_3-.Ltmp3, $4  }
0x29: {  	_ = 	snop  }
0x2a: {  	s31 =	sadd.s32 s16, s14  }
0x2b: {  	s16 =	simm.s32 $0x10;
	p0 =	por $0x0, $0x0;
	(ifvalue) =	ssetifvalue $0x7FFFFFFF  }
0x2c: {  	[tilespmem:s31], [sflag:$0x1] =	stream.indirect_vreg.gather [hbm4b:s2+s10], $0x1, v0, vm0, $0x4038;
	[tilespmem:$0x80] =	vst v63  }
.Ltmp4:
0x2d: {  	(pc) =	sbr.rel .LBB2_5-.Ltmp4, $4  }
0x2e: {  	_ =	swait.ge [sflag:s5], $0x20  }
0x2f: {  	s15 =	sshrl.u32 s13, $0x3;
	[sflag:s5] =	ssyncset.done $0x0  }
0x30: {  	s31 =	sand.u32 $0x7, s13;
	s15 =	sadd.s32 s8, s15;
	[sflag:s5] =	ssyncadd.s32 $0xFFFFFFE0  }
0x31: {  	[hbm4b:s15+s31] =	stream.linear.scatter [tilespmem:s14], [sflag:$0x3], $0x20, $0x38;
	[tilespmem:$0x80] =	vst v63  }
.LBB2_6:
0x32: {  	_ =	sfence.sel $0x180000  }
0x33: {  	s2 =	simm.s32 $0x2;
	[bflag:$0x0] =	sbarrier.arrive $0xFFFF  }
0x34: {  	s30 =	simm.s32 $0x3;
	[sflag:s2] =	ssyncpa.u1 $0x1  }
0x35: {  	s31 =	simm.s32 $0x1;
	[sflag:s30] =	ssyncpa.u1 $0x1  }
0x36: {  	[sflag:s31] =	ssyncpa.u1 $0x1  }
0x37: {  	p0 =	sne.s32 s0, $0x0;
	_ =	strace $0x90000047  }
0x38: {  	s0 =	sadd.s32 @!p0 $0x100000, s1;
	[bflag:$0x2] =	sbarrier.arrive $0xFFFF  }
0x39: {  	[sflag:s0] =	ssyncadd.tile.s32 @!p0 $0x1;
	_ =	shalt  }
.Lfunc_end2:
_tile_overlayer_lowered:
.L_overlay_start_2:
0x3a: {  	(tag) =	ssettag $0x2  }
0x3b: {  	s0 =	rddreg [dreg:$0x0];
	s2 =	stileid.u32  }
0x3c: {  	s1 =	rddreg [dreg:$0x1];
	p0 =	sne.s32 s2, $0x0  }
0x3d: {  	s3 =	rddreg [dreg:$0x2];
	[bflag:$0x3] =	sbarrier.arrive $0xFFFF;
	s2 =	simm.s32 @!p0 $0x1C01  }
0x3e: {  	[timem:s3], [sflag:s2] =	dma.local @!p0 [hbm:s0], s1  }
0x3f: {  	s0 =	simm.s32 @!p0 $0x1  }
0x40: {  	_ =	swait.ge @!p0 [sflag:s0], s1  }
0x41: {  	s1 =	ssub.s32 @!p0 $0x0, s1;
	[sflag:s0] =	ssyncset.done @!p0 $0x0  }
0x42: {  	[sflag:s0] =	ssyncadd.s32 @!p0 s1  }
0x43: {  	[bflag:$0x3] =	sbarrier.arrive $0xFFFF  }
0x44: {  	_ =	shalt  }

// kernel: kernel.5.cloned.1.call-start
scs
__scs_entry_jumppad:
0x0: {  	(pc) =	sbr.rel $0x88, $3  }
0x1: {  	(tag) =	ssettag $0x0;
	lr =	simm.s32 $0x1  }
0x2: {  	[smem:$0x3F9E] =	sst lr;
	_ =	strace $0xD0000000  }
0x3: {  	_ = 	snop  }
0x4: {  	_ = 	snop  }
0x5: {  	_ = 	snop  }
0x6: {  	_ = 	snop  }
0x7: {  	_ = 	snop  }
__scs_overlays_trampoline_lowered:
0x8: {  	[smem:$0x3FAD] =	sst s0  }
0x9: {  	[smem:$0x3FAE] =	sst s1  }
0xa: {  	[smem:$0x3FAF] =	sst s2  }
0xb: {  	[smem:$0x3FB0] =	sst s3  }
0xc: {  	[smem:$0x3FB1] =	sst s4  }
0xd: {  	[smem:$0x3FB2] =	sst s5  }
0xe: {  	[smem:$0x3FB3] =	sst s6  }
0xf: {  	[smem:$0x3FB4] =	sst s7  }
0x10: {  	[smem:$0x3FB5] =	sst s8  }
0x11: {  	[smem:$0x3FB6] =	sst s9;
	s0 =	simm.s32 @!p0 $0x0  }
0x12: {  	s1 =	sld [smem:$0x3F9C];
	s0 =	simm.s32 @p0 $0x1  }
0x13: {  	[smem:$0x3FB7] =	sst s0;
	s0 =	simm.s32 @!p1 $0x0  }
0x14: {  	s2 =	sld [smem:$0x3F9B];
	s0 =	simm.s32 @p1 $0x1  }
0x15: {  	[smem:$0x3FB8] =	sst s0;
	s0 =	simm.s32 @!p2 $0x0  }
0x16: {  	s3 =	sld [smem:$0x3FDB];
	s0 =	simm.s32 @p2 $0x1  }
0x17: {  	s4 =	simm.s32 $0x1BF5;
	[smem:$0x3FBA] =	sst s0  }
0x18: {  	s0 =	sld [smem:$0x3F9D];
	_ =	swait.ge [sflag:s4], $0x0  }
0x19: {  	s7 =	sld [smem:$0x3F9E]  }
0x1a: {  	s8 =	sadd.s32 $0xFFFFE003, lr  }
0x1b: {  	s9 =	sadd.s32 $0xFFFFFEF7, lr;
	s5 =	simm.s32 $0xFFFFFFFF;
	p2 =	slt.u32 s8, $0xFFFFF086  }
0x1c: {  	p1 =	slt.u32 s9, $0xF7A;
	s5 =	simm.s32 @!p2 $0x0  }
0x1d: {  	s5 =	simm.s32 @p1 $0x1;
	p0 =	seq.s32 s7, s2  }
0x1e: {  	s7 =	smul.u32 @!p0 $0xF7A, s2;
	p2 =	seq.s32 @!p0 s5, $0x0  }
0x1f: {  	s9 =	smul.u32 $0xF7A, s1;
	s8 =	simm.s32 @!p0 $0x1BF5;
	p2 =	por !p2, p0  }
0x20: {  	[sflag:s8] =	ssyncset.s32 @!p0 $0xFFFFF086;
	s6 =	sadd.s32 @!p0 s3, s7;
	s7 =	simm.s32 @!p0 $0x108  }
0x21: {  	s3 =	sadd.s32 s3, s9;
	s6 =	sadd.s32 @!p0 $0x88, s6;
	s7 =	simm.s32 @p2 $0x1082  }
0x22: {  	[simem:s7], [sflag:s8] =	dma.local @!p0 [hbm:s6], $0xF7A  }
0x23: {  	s9 =	sor.u32 $0xD0000000, s2;
	s6 =	simm.s32 $0x108;
	_ =	swait.ge @!p0 [sflag:s8], $0x0  }
0x24: {  	s3 =	sadd.s32 $0x88, s3;
	s6 =	simm.s32 @!p1 $0x1082;
	[sflag:s4] =	ssyncset.s32 $0xFFFFF086  }
0x25: {  	[simem:s6], [sflag:s4] =	dma.local [hbm:s3], $0xF7A  }
0x26: {  	[smem:$0x3F9E] =	sst s1;
	(tag) =	ssettag s2;
	_ =	strace s9  }
0x27: {  	s1 =	sld [smem:$0x3FAE]  }
0x28: {  	s2 =	sld [smem:$0x3FAF]  }
0x29: {  	s4 =	sld [smem:$0x3FB1]  }
0x2a: {  	p0 =	seq.s32 s5, $0x0;
	s5 =	sld [smem:$0x3FB2]  }
0x2b: {  	s6 =	sld [smem:$0x3FB3]  }
0x2c: {  	s7 =	sld [smem:$0x3FB4]  }
0x2d: {  	s3 =	simm.s32 $0x108;
	s8 =	sld [smem:$0x3FB5]  }
0x2e: {  	s3 =	simm.s32 @!p0 $0x1082;
	s9 =	sld [smem:$0x3FB6]  }
0x2f: {  	lr =	sadd.s32 s0, s3;
	s0 =	sld [smem:$0x3FAD]  }
0x30: {  	s3 =	sld [smem:$0x3FB0]  }
0x31: {  	[smem:$0x3FB9] =	sst s10  }
0x32: {  	s10 =	sld [smem:$0x3FB7];
	_ =	sdelay $0x3  }
0x33: {  	p0 =	seq.s32 s10, $0x1;
	s10 =	sld [smem:$0x3FB9];
	_ =	sdelay $0x3  }
0x34: {  	[smem:$0x3FB9] =	sst s10  }
0x35: {  	s10 =	sld [smem:$0x3FB8];
	_ =	sdelay $0x3  }
0x36: {  	p1 =	seq.s32 s10, $0x1;
	s10 =	sld [smem:$0x3FB9];
	_ =	sdelay $0x3  }
0x37: {  	[smem:$0x3FB9] =	sst s10  }
0x38: {  	s10 =	sld [smem:$0x3FBA]  }
0x39: {  	_ = 	snop;
	(pc) =	sbr.ind lr, $3  }
0x3a: {  	_ = 	snop  }
0x3b: {  	_ = 	snop  }
0x3c: {  	p2 =	seq.s32 s10, $0x1;
	s10 =	sld [smem:$0x3FB9]  }
0x3d: {  	_ =	shalt  }
0x3e: {  	_ =	shalt  }
0x3f: {  	_ =	shalt  }
0x40: {  	_ =	shalt  }
0x41: {  	_ =	shalt  }
0x42: {  	_ =	shalt  }
0x43: {  	_ =	shalt  }
0x44: {  	_ =	shalt  }
0x45: {  	_ =	shalt  }
0x46: {  	_ =	shalt  }
0x47: {  	_ =	shalt  }
0x48: {  	_ =	shalt  }
0x49: {  	_ =	shalt  }
0x4a: {  	_ =	shalt  }
0x4b: {  	_ =	shalt  }
0x4c: {  	_ =	shalt  }
0x4d: {  	_ =	shalt  }
0x4e: {  	_ =	shalt  }
0x4f: {  	_ =	shalt  }
0x50: {  	_ =	shalt  }
0x51: {  	_ =	shalt  }
0x52: {  	_ =	shalt  }
0x53: {  	_ =	shalt  }
0x54: {  	_ =	shalt  }
0x55: {  	_ =	shalt  }
0x56: {  	_ =	shalt  }
0x57: {  	_ =	shalt  }
0x58: {  	_ =	shalt  }
0x59: {  	_ =	shalt  }
0x5a: {  	_ =	shalt  }
0x5b: {  	_ =	shalt  }
0x5c: {  	_ =	shalt  }
0x5d: {  	_ =	shalt  }
0x5e: {  	_ =	shalt  }
0x5f: {  	_ =	shalt  }
0x60: {  	_ =	shalt  }
0x61: {  	_ =	shalt  }
0x62: {  	_ =	shalt  }
0x63: {  	_ =	shalt  }
0x64: {  	_ =	shalt  }
0x65: {  	_ =	shalt  }
0x66: {  	_ =	shalt  }
0x67: {  	_ =	shalt  }
0x68: {  	_ =	shalt  }
0x69: {  	_ =	shalt  }
0x6a: {  	_ =	shalt  }
0x6b: {  	_ =	shalt  }
0x6c: {  	_ =	shalt  }
0x6d: {  	_ =	shalt  }
0x6e: {  	_ =	shalt  }
0x6f: {  	_ =	shalt  }
0x70: {  	_ =	shalt  }
0x71: {  	_ =	shalt  }
0x72: {  	_ =	shalt  }
0x73: {  	_ =	shalt  }
0x74: {  	_ =	shalt  }
0x75: {  	_ =	shalt  }
0x76: {  	_ =	shalt  }
0x77: {  	_ =	shalt  }
0x78: {  	_ =	shalt  }
0x79: {  	_ =	shalt  }
0x7a: {  	_ =	shalt  }
0x7b: {  	_ =	shalt  }
0x7c: {  	_ =	shalt  }
0x7d: {  	_ =	shalt  }
0x7e: {  	_ =	shalt  }
0x7f: {  	_ =	shalt  }
0x80: {  	_ =	shalt  }
0x81: {  	_ =	shalt  }
0x82: {  	_ =	shalt  }
0x83: {  	_ =	shalt  }
0x84: {  	_ =	shalt  }
0x85: {  	_ =	shalt  }
0x86: {  	_ =	shalt  }
0x87: {  	_ =	shalt  }
.Lfunc_end0:
.L_simem_size_0:
called_computation.1_lowered:
.L_overlay_start_0:
0x88: {  	s2 =	sld [smem:$0x3FD9]  }
0x89: {  	s3 =	sld [smem:$0x3FFE];
	_ =	sdelay $0x1  }
0x8a: {  	s1 =	srdreg.scid  }
0x8b: {  	s0 =	sand.u32 $0x1, s1  }
0x8c: {  	s17 =	sshll.u32 s0, $0xA;
	s2 =	sadd.s32 s3, s2  }
0x8d: {  	s2 =	sadd.s32 s2, s17  }
0x8e: {  	[smem:$0x3FC5] =	sst s2  }
0x8f: {  	_ = 	snop  }
0x90: {  	s2 =	sld [smem:$0x3FC9]  }
0x91: {  	s18 =	sld [smem:$0x3FD0];
	(tm) =	ssettm $0x1  }
0x92: {  	s4 =	sld [smem:$0x3FFB];
	_ =	sdelay $0x3  }
0x93: {  	_ =	strace s4  }
0x94: {  	s4 =	sld [smem:$0x3FFC];
	_ =	sdelay $0x3  }
0x95: {  	_ =	strace s4  }
0x96: {  	s4 =	sld [smem:$0x3FFD];
	_ =	sdelay $0x3  }
0x97: {  	_ =	strace s4  }
0x98: {  	_ =	strace $0x8FFFFFFF  }
0x99: {  	s19 =	sld [smem:$0x3FDB];
	_ =	sdelay $0x1  }
0x9a: {  	s5 =	simm.s32 $_scs_section_size  }
0x9b: {  	s6 =	simm.s32 $_size__tile_overlayer_lowered;
	s7 =	simm.s32 $_tile_overlayer_lowered  }
0x9c: {  	s22 =	simm.s32 $0x1BFF;
	s21 =	sshll.u32 s7, $0x1;
	s4 =	sadd.s32 s5, s19  }
0x9d: {  	s8 =	simm.s32 $0x0;
	s20 =	sshll.u32 s6, $0x1;
	s6 =	sadd.s32 s21, s4  }
0x9e: {  	[timem:s8], [sflag:s22] =	dma.local [hbm:s6], s20  }
0x9f: {  	_ =	swait.ge [sflag:s22], s20  }
0xa0: {  	s5 =	ssub.s32 $0x0, s20;
	[sflag:s22] =	ssyncset.done $0x0  }
0xa1: {  	[sflag:s22] =	ssyncadd.s32 s5;
	_ =	sdelay $0x1  }
0xa2: {  	s23 =	simm.s32 $0x1B8B  }
0xa3: {  	_ =	swait.ge [sflag:s23], $0x1  }
0xa4: {  	[sflag:s23] =	ssyncset.done $0x0  }
0xa5: {  	s25 =	simm.s32 $0x1B8E;
	s24 =	sld [smem:$0x3FFE];
	[sflag:s23] =	ssyncadd.s32 $0xFFFFFFFF  }
0xa6: {  	s26 =	simm.s32 $execute0_lowered;
	[smem:$0x3FD2] =	sst s25  }
0xa7: {  	s6 =	sshll.u32 s26, $0x1;
	_ =	strace $0x80000049;
	[dreg:$0x1] =	wrdreg $0xFFFFFFFF  }
0xa8: {  	s28 =	simm.s32 $_size_execute0_lowered;
	s4 =	sadd.s32 s4, s6;
	[dreg:$0x0] =	wrdreg $0x0  }
0xa9: {  	s6 =	sshll.u32 s28, $0x1;
	[dreg:$0x2] =	wrdreg s4  }
0xaa: {  	[dreg:$0x3] =	wrdreg s6  }
0xab: {  	[dreg:$0x4] =	wrdreg $0xC0  }
0xac: {  	_ =	task [dreg:s8], $0x5FFFF  }
0xad: {  	[dreg:$0x1] =	wrdreg $0xFFFFFFFF  }
0xae: {  	[dreg:$0x0] =	wrdreg $0x60  }
0xaf: {  	[dreg:$0x2] =	wrdreg s2  }
0xb0: {  	[dreg:$0x3] =	wrdreg s24  }
0xb1: {  	[dreg:$0x4] =	wrdreg s18  }
0xb2: {  	[dreg:$0x5] =	wrdreg $0x9  }
0xb3: {  	_ =	task.clear_ibuf [dreg:s8], $0x6FFFF;
	_ =	strace $0x90000049  }
0xb4: {  	s29 =	simm.s32 $0x9;
	_ =	strace $0x8000004B  }
0xb5: {  	_ =	swait.ge [sflag:s29], $0x1  }
0xb6: {  	[sflag:s29] =	ssyncadd.s32 $0xFFFFFFFF  }
0xb7: {  	_ =	strace $0x9000004B  }
0xb8: {  	_ =	sfence  }
0xb9: {  	s30 =	sld [smem:$0x0];
	_ =	sdelay $0x2  }
0xba: {  	s31 =	sshll.u32 s1, $0xD;
	s1 =	sshrl.u32 s1, $0x2  }
0xbb: {  	s3 =	sand.u32 $0x4000, s31;
	s1 =	sadd.s32 s1, s30  }
0xbc: {  	s0 =	sor.u32 s3, s0;
	s1 =	sshll.u32 s1, $0x11  }
0xbd: {  	s0 =	sor.u32 s1, s0  }
0xbe: {  	s0 =	sadd.s32 $0x8F2B, s0  }
0xbf: {  	[sflag:s0] =	ssyncadd.remote.s32 $0x1  }
0xc0: {  	_ =	sfence.sel $0xFFFF  }
0xc1: {  	[dreg:$0x0] =	wrdreg $0xFFFFFFFF;
	(pc) =	sbr.abs _section_cstart, $3  }
0xc2: {  	[dreg:$0x1] =	wrdreg $0xFFFFFFFF  }
0xc3: {  	_ =	task.clear_ibuf [dreg:s8], $0x2FFFF;
	_ =	strace $0x9FFFFFFF  }
0xc4: {  	(tm) =	ssettm $0x7FFFFFFF  }
0xc5: {  	_ =	shalt  }
tec
execute0_lowered:
.L_overlay_start_1:
0x0: {  	(tag) =	ssettag $0x1  }
0x1: {  	s1 =	rddreg [dreg:$0x0]  }
0x2: {  	s2 =	srdreg.scid;
	s4 =	rddreg [dreg:$0x1]  }
0x3: {  	s0 =	stileid.u32;
	s3 =	simm.s32 $0x0;
	s8 =	simm.s32 $0x80  }
0x4: {  	s26 =	simm.s32 $0x880;
	s9 =	simm.s32 $0x1080;
	s10 =	simm.s32 $0x1880  }
0x5: {  	s11 =	simm.s32 $0x2080;
	s12 =	simm.s32 $0x2880;
	s13 =	simm.s32 $0x3080  }
0x6: {  	s14 =	simm.s32 $0x3880;
	s15 =	simm.s32 $0x4080;
	s16 =	simm.s32 $0x4880  }
0x7: {  	s17 =	simm.s32 $0x5080;
	s18 =	simm.s32 $0x5880;
	s19 =	simm.s32 $0x6080  }
0x8: {  	s20 =	simm.s32 $0x6880;
	s21 =	simm.s32 $0x7080;
	s22 =	simm.s32 $0x7880  }
0x9: {  	s23 =	simm.s32 $0x8080;
	s28 =	simm.s32 $0xA080;
	s29 =	simm.s32 $0xA880  }
0xa: {  	s30 =	simm.s32 $0xB080;
	s5 =	sand.u32 $0x1, s2;
	s2 =	rddreg [dreg:$0x2]  }
0xb: {  	s31 =	simm.s32 $0xB880;
	s6 =	sshll.u32 s0, $0x4;
	[smem:$0x7FF] =	sst s3  }
0xc: {  	s7 =	sshll.u32 s5, $0x3;
	_ =	strace $0x8000004A;
	s5 =	ssub.s32 $0x2, s5  }
0xd: {  	[dreg:$0x6] =	wrdreg s26;
	s26 =	simm.s32 $0x9880;
	s6 =	sor.u32 s7, s6  }
0xe: {  	s24 =	sshrl.u32 s5, $0x1;
	s7 =	simm.s32 $0x2;
	s4 =	sadd.s32 s6, s4  }
0xf: {  	s6 =	smul.u32 $0x300, s6;
	s25 =	ssub.s32 s5, s24;
	s4 =	sadd.s32 $0x200, s4  }
0x10: {  	v2 =	vlaneseq.u32;
	s5 =	sadd.s32 $0x200, s2;
	s24 =	simm.s32 $0x8880;
	[dreg:$0x4] =	wrdreg s4  }
0x11: {  	vm0 =	vmmov $0xffff;
	v1 =	vshrl.u32 v2, $0x3;
	s1 =	sadd.s32 s1, s6;
	s4 =	sadd.s32 $0x100, s2;
	s6 =	smax.u32 s25, $0x1  }
0x12: {  	v0 =	vand.u32 $0x7, v2;
	v2 =	vor.u32 $0x8, v2;
	v1 =	vmul.u32 $0x8, v1;
	s25 =	simm.s32 $0x9080;
	[dreg:$0x5] =	wrdreg s1;
	s1 =	simm.s32 $0x1  }
.LBB2_1:
0x13: {  	s0 =	rddreg [dreg:$0x4]  }
0x14: {  	[tilespmem:s3], [sflag:$0x2] =	stream.linear.gather [hbm4b:s0+s3], $0x40, $0x38;
	[tilespmem:$0xC080] =	vst v63  }
0x15: {  	_ =	swait.ge [sflag:s7], $0x40  }
0x16: {  	[sflag:s7] =	ssyncset.done $0x0  }
0x17: {  	s0 =	rddreg [dreg:$0x5];
	[sflag:s7] =	ssyncadd.s32 $0xFFFFFFC0  }
0x18: {  	[tilespmem:s8], [sflag:$0x2] =	stream.linear.gather [hbm4b:s0+s3], $0xC000, $0x38;
	[tilespmem:$0xC080] =	vst v63  }
0x19: {  	_ =	swait.ge [sflag:s7], $0xC000  }
0x1a: {  	[sflag:s7] =	ssyncset.done $0x0  }
0x1b: {  	[sflag:s7] =	ssyncadd.s32 $0xFFFF4000  }
0x1c: {  	v3 =	vld [tilespmem:$0x0];
	_ =	sdelay $0x4  }
0x1d: {  	v4 =	vshrl.u32 v3, $0x3  }
0x1e: {  	v4 =	vmul.u32 $0x30, v4  }
0x1f: {  	v3 =	vand.u32 $0x7, v3  }
0x20: {  	v3 =	vor.u32 v3, v4  }
0x21: {  	v4 =	vperm.xlane v3, v0;
	_ =	sdelay $0x1  }
0x22: {  	v4 =	vadd.s32 v1, v4;
	_ =	sdelay $0x3  }
0x23: {  	v3 =	vperm.xlane v3, v2  }
0x24: {  	[hbm4b:s2+s3] =	stream.indirect_vreg.scatter [tilespmem:s8], [sflag:$0x1], $0x80, v4, vm0, $0xb8;
	[tilespmem:$0xC080] =	vst v63  }
0x25: {  	s0 =	rddreg [dreg:$0x6];
	v3 =	vadd.s32 v1, v3  }
0x26: {  	[hbm4b:s4+s3] =	stream.indirect_vreg.scatter [tilespmem:s0], [sflag:$0x1], $0x80, v4, vm0, $0xb8;
	[tilespmem:$0xC080] =	vst v63  }
0x27: {  	_ = 	snop  }
0x28: {  	[hbm4b:s5+s3] =	stream.indirect_vreg.scatter [tilespmem:s9], [sflag:$0x1], $0x80, v4, vm0, $0xb8;
	[tilespmem:$0xC080] =	vst v63  }
0x29: {  	_ = 	snop  }
0x2a: {  	[hbm4b:s2+s3] =	stream.indirect_vreg.scatter [tilespmem:s10], [sflag:$0x1], $0x80, v3, vm0, $0xb8;
	[tilespmem:$0xC080] =	vst v63  }
0x2b: {  	_ = 	snop  }
0x2c: {  	[hbm4b:s4+s3] =	stream.indirect_vreg.scatter [tilespmem:s11], [sflag:$0x1], $0x80, v3, vm0, $0xb8;
	[tilespmem:$0xC080] =	vst v63  }
0x2d: {  	_ = 	snop  }
0x2e: {  	[hbm4b:s5+s3] =	stream.indirect_vreg.scatter [tilespmem:s12], [sflag:$0x1], $0x80, v3, vm0, $0xb8;
	[tilespmem:$0xC080] =	vst v63  }
0x2f: {  	v3 =	vld [tilespmem:$0x10];
	_ =	sdelay $0x4  }
0x30: {  	v61 =	vshrl.u32 v3, $0x3  }
0x31: {  	v4 =	vmul.u32 $0x30, v61  }
0x32: {  	v3 =	vand.u32 $0x7, v3  }
0x33: {  	v3 =	vor.u32 v3, v4  }
0x34: {  	v4 =	vperm.xlane v3, v0;
	_ =	sdelay $0x1  }
0x35: {  	v4 =	vadd.s32 v1, v4;
	_ =	sdelay $0x3  }
0x36: {  	v3 =	vperm.xlane v3, v2  }
0x37: {  	[hbm4b:s2+s3] =	stream.indirect_vreg.scatter [tilespmem:s13], [sflag:$0x1], $0x80, v4, vm0, $0xb8;
	[tilespmem:$0xC080] =	vst v63  }
0x38: {  	v3 =	vadd.s32 v1, v3  }
0x39: {  	[hbm4b:s4+s3] =	stream.indirect_vreg.scatter [tilespmem:s14], [sflag:$0x1], $0x80, v4, vm0, $0xb8;
	[tilespmem:$0xC080] =	vst v63  }
0x3a: {  	_ = 	snop  }
0x3b: {  	[hbm4b:s5+s3] =	stream.indirect_vreg.scatter [tilespmem:s15], [sflag:$0x1], $0x80, v4, vm0, $0xb8;
	[tilespmem:$0xC080] =	vst v63  }
0x3c: {  	_ = 	snop  }
0x3d: {  	[hbm4b:s2+s3] =	stream.indirect_vreg.scatter [tilespmem:s16], [sflag:$0x1], $0x80, v3, vm0, $0xb8;
	[tilespmem:$0xC080] =	vst v63  }
0x3e: {  	_ = 	snop  }
0x3f: {  	[hbm4b:s4+s3] =	stream.indirect_vreg.scatter [tilespmem:s17], [sflag:$0x1], $0x80, v3, vm0, $0xb8;
	[tilespmem:$0xC080] =	vst v63  }
0x40: {  	_ = 	snop  }
0x41: {  	[hbm4b:s5+s3] =	stream.indirect_vreg.scatter [tilespmem:s18], [sflag:$0x1], $0x80, v3, vm0, $0xb8;
	[tilespmem:$0xC080] =	vst v63  }
0x42: {  	v3 =	vld [tilespmem:$0x20];
	_ =	sdelay $0x4  }
0x43: {  	v62 =	vshrl.u32 v3, $0x3  }
0x44: {  	v4 =	vmul.u32 $0x30, v62  }
0x45: {  	v3 =	vand.u32 $0x7, v3  }
0x46: {  	v3 =	vor.u32 v3, v4  }
0x47: {  	v4 =	vperm.xlane v3, v0;
	_ =	sdelay $0x1  }
0x48: {  	v4 =	vadd.s32 v1, v4;
	_ =	sdelay $0x3  }
0x49: {  	v3 =	vperm.xlane v3, v2  }
0x4a: {  	[hbm4b:s2+s3] =	stream.indirect_vreg.scatter [tilespmem:s19], [sflag:$0x1], $0x80, v4, vm0, $0xb8;
	[tilespmem:$0xC080] =	vst v63  }
0x4b: {  	v3 =	vadd.s32 v1, v3  }
0x4c: {  	[hbm4b:s4+s3] =	stream.indirect_vreg.scatter [tilespmem:s20], [sflag:$0x1], $0x80, v4, vm0, $0xb8;
	[tilespmem:$0xC080] =	vst v63  }
0x4d: {  	_ = 	snop  }
0x4e: {  	[hbm4b:s5+s3] =	stream.indirect_vreg.scatter [tilespmem:s21], [sflag:$0x1], $0x80, v4, vm0, $0xb8;
	[tilespmem:$0xC080] =	vst v63  }
0x4f: {  	_ = 	snop  }
0x50: {  	[hbm4b:s2+s3] =	stream.indirect_vreg.scatter [tilespmem:s22], [sflag:$0x1], $0x80, v3, vm0, $0xb8;
	[tilespmem:$0xC080] =	vst v63  }
0x51: {  	_ = 	snop  }
0x52: {  	[hbm4b:s4+s3] =	stream.indirect_vreg.scatter [tilespmem:s23], [sflag:$0x1], $0x80, v3, vm0, $0xb8;
	[tilespmem:$0xC080] =	vst v63  }
0x53: {  	_ = 	snop  }
0x54: {  	[hbm4b:s5+s3] =	stream.indirect_vreg.scatter [tilespmem:s24], [sflag:$0x1], $0x80, v3, vm0, $0xb8;
	[tilespmem:$0xC080] =	vst v63  }
0x55: {  	v3 =	vld [tilespmem:$0x30];
	_ =	sdelay $0x4  }
0x56: {  	v63 =	vshrl.u32 v3, $0x3  }
0x57: {  	v4 =	vmul.u32 $0x30, v63  }
0x58: {  	v3 =	vand.u32 $0x7, v3  }
0x59: {  	v3 =	vor.u32 v3, v4  }
0x5a: {  	v4 =	vperm.xlane v3, v0;
	_ =	sdelay $0x1  }
0x5b: {  	v4 =	vadd.s32 v1, v4;
	_ =	sdelay $0x3  }
0x5c: {  	v3 =	vperm.xlane v3, v2  }
0x5d: {  	[hbm4b:s2+s3] =	stream.indirect_vreg.scatter [tilespmem:s25], [sflag:$0x1], $0x80, v4, vm0, $0xb8;
	[tilespmem:$0xC080] =	vst v63  }
0x5e: {  	v3 =	vadd.s32 v1, v3  }
0x5f: {  	[hbm4b:s4+s3] =	stream.indirect_vreg.scatter [tilespmem:s26], [sflag:$0x1], $0x80, v4, vm0, $0xb8;
	[tilespmem:$0xC080] =	vst v63  }
0x60: {  	_ = 	snop  }
0x61: {  	[hbm4b:s5+s3] =	stream.indirect_vreg.scatter [tilespmem:s28], [sflag:$0x1], $0x80, v4, vm0, $0xb8;
	[tilespmem:$0xC080] =	vst v63  }
0x62: {  	_ = 	snop  }
0x63: {  	[hbm4b:s2+s3] =	stream.indirect_vreg.scatter [tilespmem:s29], [sflag:$0x1], $0x80, v3, vm0, $0xb8;
	[tilespmem:$0xC080] =	vst v63  }
0x64: {  	p0 =	sne.s32 s6, $0x1  }
0x65: {  	[hbm4b:s4+s3] =	stream.indirect_vreg.scatter [tilespmem:s30], [sflag:$0x1], $0x80, v3, vm0, $0xb8;
	[tilespmem:$0xC080] =	vst v63  }
.Ltmp0:
0x66: {  	_ = 	snop;
	(pc) =	sbr.rel @p0 .LBB2_1-.Ltmp0, $4  }
0x67: {  	[hbm4b:s5+s3] =	stream.indirect_vreg.scatter [tilespmem:s31], [sflag:$0x1], $0x80, v3, vm0, $0xb8;
	[tilespmem:$0xC080] =	vst v63  }
0x68: {  	_ =	swait.ge [sflag:s1], $0xC000  }
0x69: {  	[sflag:s1] =	ssyncset.done $0x0  }
0x6a: {  	s6 =	sadd.s32 $0xFFFFFFFF, s6;
	[sflag:s1] =	ssyncadd.s32 $0xFFFF4000  }
0x6b: {  	_ =	sfence.sel $0x180000  }
0x6c: {  	[bflag:$0x0] =	sbarrier.arrive $0xFFFF  }
0x6d: {  	_ =	strace $0x9000004A  }
0x6e: {  	s0 =	stileid.u32;
	[bflag:$0x2] =	sbarrier.arrive $0xFFFF  }
0x6f: {  	p0 =	sne.s32 s0, $0x0;
	s0 =	rddreg [dreg:$0x3]  }
0x70: {  	s0 =	sadd.s32 @!p0 $0x100000, s0  }
0x71: {  	[sflag:s0] =	ssyncadd.tile.s32 @!p0 $0x1;
	_ =	shalt  }
.Lfunc_end2:
_tile_overlayer_lowered:
.L_overlay_start_2:
0x72: {  	(tag) =	ssettag $0x2  }
0x73: {  	s0 =	rddreg [dreg:$0x0];
	s2 =	stileid.u32  }
0x74: {  	s1 =	rddreg [dreg:$0x1];
	p0 =	sne.s32 s2, $0x0  }
0x75: {  	s3 =	rddreg [dreg:$0x2];
	[bflag:$0x3] =	sbarrier.arrive $0xFFFF;
	s2 =	simm.s32 @!p0 $0x1C02  }
0x76: {  	[timem:s3], [sflag:s2] =	dma.local @!p0 [hbm:s0], s1  }
0x77: {  	s0 =	simm.s32 @!p0 $0x2  }
0x78: {  	_ =	swait.ge @!p0 [sflag:s0], s1  }
0x79: {  	s1 =	ssub.s32 @!p0 $0x0, s1;
	[sflag:s0] =	ssyncset.done @!p0 $0x0  }
0x7a: {  	[sflag:s0] =	ssyncadd.s32 @!p0 s1  }
0x7b: {  	[bflag:$0x3] =	sbarrier.arrive $0xFFFF  }
0x7c: {  	_ =	shalt  }

// kernel: kernel.8.cloned.1.call-start
scs
__scs_entry_jumppad:
0x0: {  	(pc) =	sbr.rel $0x88, $3  }
0x1: {  	(tag) =	ssettag $0x0;
	lr =	simm.s32 $0x1  }
0x2: {  	[smem:$0x3F9E] =	sst lr;
	_ =	strace $0xD0000000  }
0x3: {  	_ = 	snop  }
0x4: {  	_ = 	snop  }
0x5: {  	_ = 	snop  }
0x6: {  	_ = 	snop  }
0x7: {  	_ = 	snop  }
__scs_overlays_trampoline_lowered:
0x8: {  	[smem:$0x3FAD] =	sst s0  }
0x9: {  	[smem:$0x3FAE] =	sst s1  }
0xa: {  	[smem:$0x3FAF] =	sst s2  }
0xb: {  	[smem:$0x3FB0] =	sst s3  }
0xc: {  	[smem:$0x3FB1] =	sst s4  }
0xd: {  	[smem:$0x3FB2] =	sst s5  }
0xe: {  	[smem:$0x3FB3] =	sst s6  }
0xf: {  	[smem:$0x3FB4] =	sst s7  }
0x10: {  	[smem:$0x3FB5] =	sst s8  }
0x11: {  	[smem:$0x3FB6] =	sst s9;
	s0 =	simm.s32 @!p0 $0x0  }
0x12: {  	s1 =	sld [smem:$0x3F9C];
	s0 =	simm.s32 @p0 $0x1  }
0x13: {  	[smem:$0x3FB7] =	sst s0;
	s0 =	simm.s32 @!p1 $0x0  }
0x14: {  	s2 =	sld [smem:$0x3F9B];
	s0 =	simm.s32 @p1 $0x1  }
0x15: {  	[smem:$0x3FB8] =	sst s0;
	s0 =	simm.s32 @!p2 $0x0  }
0x16: {  	s3 =	sld [smem:$0x3FDB];
	s0 =	simm.s32 @p2 $0x1  }
0x17: {  	s4 =	simm.s32 $0x1BF5;
	[smem:$0x3FBA] =	sst s0  }
0x18: {  	s0 =	sld [smem:$0x3F9D];
	_ =	swait.ge [sflag:s4], $0x0  }
0x19: {  	s7 =	sld [smem:$0x3F9E]  }
0x1a: {  	s8 =	sadd.s32 $0xFFFFE003, lr  }
0x1b: {  	s9 =	sadd.s32 $0xFFFFFEF7, lr;
	s5 =	simm.s32 $0xFFFFFFFF;
	p2 =	slt.u32 s8, $0xFFFFF086  }
0x1c: {  	p1 =	slt.u32 s9, $0xF7A;
	s5 =	simm.s32 @!p2 $0x0  }
0x1d: {  	s5 =	simm.s32 @p1 $0x1;
	p0 =	seq.s32 s7, s2  }
0x1e: {  	s7 =	smul.u32 @!p0 $0xF7A, s2;
	p2 =	seq.s32 @!p0 s5, $0x0  }
0x1f: {  	s9 =	smul.u32 $0xF7A, s1;
	s8 =	simm.s32 @!p0 $0x1BF5;
	p2 =	por !p2, p0  }
0x20: {  	[sflag:s8] =	ssyncset.s32 @!p0 $0xFFFFF086;
	s6 =	sadd.s32 @!p0 s3, s7;
	s7 =	simm.s32 @!p0 $0x108  }
0x21: {  	s3 =	sadd.s32 s3, s9;
	s6 =	sadd.s32 @!p0 $0x88, s6;
	s7 =	simm.s32 @p2 $0x1082  }
0x22: {  	[simem:s7], [sflag:s8] =	dma.local @!p0 [hbm:s6], $0xF7A  }
0x23: {  	s9 =	sor.u32 $0xD0000000, s2;
	s6 =	simm.s32 $0x108;
	_ =	swait.ge @!p0 [sflag:s8], $0x0  }
0x24: {  	s3 =	sadd.s32 $0x88, s3;
	s6 =	simm.s32 @!p1 $0x1082;
	[sflag:s4] =	ssyncset.s32 $0xFFFFF086  }
0x25: {  	[simem:s6], [sflag:s4] =	dma.local [hbm:s3], $0xF7A  }
0x26: {  	[smem:$0x3F9E] =	sst s1;
	(tag) =	ssettag s2;
	_ =	strace s9  }
0x27: {  	s1 =	sld [smem:$0x3FAE]  }
0x28: {  	s2 =	sld [smem:$0x3FAF]  }
0x29: {  	s4 =	sld [smem:$0x3FB1]  }
0x2a: {  	p0 =	seq.s32 s5, $0x0;
	s5 =	sld [smem:$0x3FB2]  }
0x2b: {  	s6 =	sld [smem:$0x3FB3]  }
0x2c: {  	s7 =	sld [smem:$0x3FB4]  }
0x2d: {  	s3 =	simm.s32 $0x108;
	s8 =	sld [smem:$0x3FB5]  }
0x2e: {  	s3 =	simm.s32 @!p0 $0x1082;
	s9 =	sld [smem:$0x3FB6]  }
0x2f: {  	lr =	sadd.s32 s0, s3;
	s0 =	sld [smem:$0x3FAD]  }
0x30: {  	s3 =	sld [smem:$0x3FB0]  }
0x31: {  	[smem:$0x3FB9] =	sst s10  }
0x32: {  	s10 =	sld [smem:$0x3FB7];
	_ =	sdelay $0x3  }
0x33: {  	p0 =	seq.s32 s10, $0x1;
	s10 =	sld [smem:$0x3FB9];
	_ =	sdelay $0x3  }
0x34: {  	[smem:$0x3FB9] =	sst s10  }
0x35: {  	s10 =	sld [smem:$0x3FB8];
	_ =	sdelay $0x3  }
0x36: {  	p1 =	seq.s32 s10, $0x1;
	s10 =	sld [smem:$0x3FB9];
	_ =	sdelay $0x3  }
0x37: {  	[smem:$0x3FB9] =	sst s10  }
0x38: {  	s10 =	sld [smem:$0x3FBA]  }
0x39: {  	_ = 	snop;
	(pc) =	sbr.ind lr, $3  }
0x3a: {  	_ = 	snop  }
0x3b: {  	_ = 	snop  }
0x3c: {  	p2 =	seq.s32 s10, $0x1;
	s10 =	sld [smem:$0x3FB9]  }
0x3d: {  	_ =	shalt  }
0x3e: {  	_ =	shalt  }
0x3f: {  	_ =	shalt  }
0x40: {  	_ =	shalt  }
0x41: {  	_ =	shalt  }
0x42: {  	_ =	shalt  }
0x43: {  	_ =	shalt  }
0x44: {  	_ =	shalt  }
0x45: {  	_ =	shalt  }
0x46: {  	_ =	shalt  }
0x47: {  	_ =	shalt  }
0x48: {  	_ =	shalt  }
0x49: {  	_ =	shalt  }
0x4a: {  	_ =	shalt  }
0x4b: {  	_ =	shalt  }
0x4c: {  	_ =	shalt  }
0x4d: {  	_ =	shalt  }
0x4e: {  	_ =	shalt  }
0x4f: {  	_ =	shalt  }
0x50: {  	_ =	shalt  }
0x51: {  	_ =	shalt  }
0x52: {  	_ =	shalt  }
0x53: {  	_ =	shalt  }
0x54: {  	_ =	shalt  }
0x55: {  	_ =	shalt  }
0x56: {  	_ =	shalt  }
0x57: {  	_ =	shalt  }
0x58: {  	_ =	shalt  }
0x59: {  	_ =	shalt  }
0x5a: {  	_ =	shalt  }
0x5b: {  	_ =	shalt  }
0x5c: {  	_ =	shalt  }
0x5d: {  	_ =	shalt  }
0x5e: {  	_ =	shalt  }
0x5f: {  	_ =	shalt  }
0x60: {  	_ =	shalt  }
0x61: {  	_ =	shalt  }
0x62: {  	_ =	shalt  }
0x63: {  	_ =	shalt  }
0x64: {  	_ =	shalt  }
0x65: {  	_ =	shalt  }
0x66: {  	_ =	shalt  }
0x67: {  	_ =	shalt  }
0x68: {  	_ =	shalt  }
0x69: {  	_ =	shalt  }
0x6a: {  	_ =	shalt  }
0x6b: {  	_ =	shalt  }
0x6c: {  	_ =	shalt  }
0x6d: {  	_ =	shalt  }
0x6e: {  	_ =	shalt  }
0x6f: {  	_ =	shalt  }
0x70: {  	_ =	shalt  }
0x71: {  	_ =	shalt  }
0x72: {  	_ =	shalt  }
0x73: {  	_ =	shalt  }
0x74: {  	_ =	shalt  }
0x75: {  	_ =	shalt  }
0x76: {  	_ =	shalt  }
0x77: {  	_ =	shalt  }
0x78: {  	_ =	shalt  }
0x79: {  	_ =	shalt  }
0x7a: {  	_ =	shalt  }
0x7b: {  	_ =	shalt  }
0x7c: {  	_ =	shalt  }
0x7d: {  	_ =	shalt  }
0x7e: {  	_ =	shalt  }
0x7f: {  	_ =	shalt  }
0x80: {  	_ =	shalt  }
0x81: {  	_ =	shalt  }
0x82: {  	_ =	shalt  }
0x83: {  	_ =	shalt  }
0x84: {  	_ =	shalt  }
0x85: {  	_ =	shalt  }
0x86: {  	_ =	shalt  }
0x87: {  	_ =	shalt  }
.Lfunc_end0:
.L_simem_size_0:
called_computation.2_lowered:
.L_overlay_start_0:
0x88: {  	s2 =	sld [smem:$0x3FD9]  }
0x89: {  	s3 =	sld [smem:$0x3FFE];
	_ =	sdelay $0x1  }
0x8a: {  	s1 =	srdreg.scid  }
0x8b: {  	s0 =	sand.u32 $0x1, s1  }
0x8c: {  	s17 =	sshll.u32 s0, $0xA;
	s2 =	sadd.s32 s3, s2  }
0x8d: {  	s2 =	sadd.s32 s2, s17  }
0x8e: {  	[smem:$0x3FC5] =	sst s2  }
0x8f: {  	_ = 	snop  }
0x90: {  	s2 =	sld [smem:$0x3FD0];
	(tm) =	ssettm $0x1  }
0x91: {  	s18 =	sld [smem:$0x3FFB];
	_ =	sdelay $0x3  }
0x92: {  	_ =	strace s18  }
0x93: {  	s3 =	sld [smem:$0x3FFC];
	_ =	sdelay $0x3  }
0x94: {  	_ =	strace s3  }
0x95: {  	s3 =	sld [smem:$0x3FFD];
	_ =	sdelay $0x3  }
0x96: {  	_ =	strace s3  }
0x97: {  	_ =	strace $0x8FFFFFFF  }
0x98: {  	s19 =	sld [smem:$0x3FDB];
	_ =	sdelay $0x1  }
0x99: {  	s4 =	simm.s32 $_scs_section_size  }
0x9a: {  	s5 =	simm.s32 $_size__tile_overlayer_lowered;
	s6 =	simm.s32 $_tile_overlayer_lowered  }
0x9b: {  	s22 =	simm.s32 $0x1BFF;
	s21 =	sshll.u32 s6, $0x1;
	s3 =	sadd.s32 s4, s19  }
0x9c: {  	s7 =	simm.s32 $0x0;
	s20 =	sshll.u32 s5, $0x1;
	s5 =	sadd.s32 s21, s3  }
0x9d: {  	[timem:s7], [sflag:s22] =	dma.local [hbm:s5], s20  }
0x9e: {  	_ =	swait.ge [sflag:s22], s20  }
0x9f: {  	s4 =	ssub.s32 $0x0, s20;
	[sflag:s22] =	ssyncset.done $0x0  }
0xa0: {  	[sflag:s22] =	ssyncadd.s32 s4;
	_ =	sdelay $0x1  }
0xa1: {  	s23 =	simm.s32 $0x1B8B  }
0xa2: {  	_ =	swait.ge [sflag:s23], $0x1  }
0xa3: {  	[sflag:s23] =	ssyncset.done $0x0  }
0xa4: {  	s25 =	simm.s32 $0x1B8E;
	s24 =	sld [smem:$0x3FFE];
	[sflag:s23] =	ssyncadd.s32 $0xFFFFFFFF  }
0xa5: {  	s26 =	simm.s32 $execute0_lowered;
	[smem:$0x3FD2] =	sst s25  }
0xa6: {  	s5 =	sshll.u32 s26, $0x1;
	_ =	strace $0x8000004C;
	[dreg:$0x1] =	wrdreg $0xFFFFFFFF  }
0xa7: {  	s28 =	simm.s32 $_size_execute0_lowered;
	s3 =	sadd.s32 s3, s5;
	[dreg:$0x0] =	wrdreg $0x0  }
0xa8: {  	s5 =	sshll.u32 s28, $0x1;
	[dreg:$0x2] =	wrdreg s3  }
0xa9: {  	[dreg:$0x3] =	wrdreg s5  }
0xaa: {  	[dreg:$0x4] =	wrdreg $0xC0  }
0xab: {  	_ =	task [dreg:s7], $0x5FFFF  }
0xac: {  	[dreg:$0x1] =	wrdreg $0xFFFFFFFF  }
0xad: {  	[dreg:$0x0] =	wrdreg $0x60  }
0xae: {  	[dreg:$0x2] =	wrdreg s24  }
0xaf: {  	[dreg:$0x3] =	wrdreg s2  }
0xb0: {  	[dreg:$0x4] =	wrdreg $0x9  }
0xb1: {  	_ =	task.clear_ibuf [dreg:s7], $0x5FFFF;
	_ =	strace $0x9000004C  }
0xb2: {  	s29 =	simm.s32 $0x9;
	_ =	strace $0x8000004E  }
0xb3: {  	_ =	swait.ge [sflag:s29], $0x1  }
0xb4: {  	[sflag:s29] =	ssyncadd.s32 $0xFFFFFFFF  }
0xb5: {  	_ =	strace $0x9000004E  }
0xb6: {  	_ =	sfence  }
0xb7: {  	s30 =	sld [smem:$0x0];
	_ =	sdelay $0x2  }
0xb8: {  	s31 =	sshll.u32 s1, $0xD;
	s1 =	sshrl.u32 s1, $0x2  }
0xb9: {  	s3 =	sand.u32 $0x4000, s31;
	s1 =	sadd.s32 s1, s30  }
0xba: {  	s0 =	sor.u32 s3, s0;
	s1 =	sshll.u32 s1, $0x11  }
0xbb: {  	s0 =	sor.u32 s1, s0  }
0xbc: {  	s0 =	sadd.s32 $0x8F2B, s0  }
0xbd: {  	[sflag:s0] =	ssyncadd.remote.s32 $0x1  }
0xbe: {  	_ =	sfence.sel $0xFFFF  }
0xbf: {  	[dreg:$0x0] =	wrdreg $0xFFFFFFFF;
	(pc) =	sbr.abs _section_cstart, $3  }
0xc0: {  	[dreg:$0x1] =	wrdreg $0xFFFFFFFF  }
0xc1: {  	_ =	task.clear_ibuf [dreg:s7], $0x2FFFF;
	_ =	strace $0x9FFFFFFF  }
0xc2: {  	(tm) =	ssettm $0x7FFFFFFF  }
0xc3: {  	_ =	shalt  }
tec
execute0_lowered:
.L_overlay_start_1:
0x0: {  	(tag) =	ssettag $0x1  }
0x1: {  	s0 =	rddreg [dreg:$0x0]  }
0x2: {  	s5 =	rddreg [dreg:$0x1];
	s3 =	srdreg.scid  }
0x3: {  	s2 =	simm.s32 $0x0;
	s1 =	stileid.u32;
	s26 =	simm.s32 $0x880  }
0x4: {  	s10 =	simm.s32 $0x1880;
	s11 =	simm.s32 $0x2080;
	s12 =	simm.s32 $0x2880  }
0x5: {  	s13 =	simm.s32 $0x3080;
	s14 =	simm.s32 $0x3880;
	s15 =	simm.s32 $0x4080  }
0x6: {  	s16 =	simm.s32 $0x4880;
	s17 =	simm.s32 $0x5080;
	s18 =	simm.s32 $0x5880  }
0x7: {  	s19 =	simm.s32 $0x6080;
	s20 =	simm.s32 $0x6880;
	s21 =	simm.s32 $0x7080  }
0x8: {  	s22 =	simm.s32 $0x7880;
	s28 =	simm.s32 $0xA080;
	s29 =	simm.s32 $0xA880  }
0x9: {  	s30 =	simm.s32 $0xB080;
	s31 =	simm.s32 $0xB880;
	s3 =	sand.u32 $0x1, s3  }
0xa: {  	[smem:$0x7FF] =	sst s2;
	s4 =	sshll.u32 s1, $0x4;
	s6 =	sshll.u32 s3, $0x3  }
0xb: {  	_ =	strace $0x8000004D;
	s23 =	ssub.s32 $0x2, s3;
	s3 =	sadd.s32 $0x400, s0  }
0xc: {  	[dreg:$0x5] =	wrdreg s26;
	s26 =	simm.s32 $0x9880;
	s4 =	sor.u32 s6, s4  }
0xd: {  	s8 =	sshrl.u32 s23, $0x1;
	s7 =	sadd.s32 s4, s0;
	s9 =	smul.u32 $0x300, s4  }
0xe: {  	s6 =	ssub.s32 s23, s8;
	s4 =	sadd.s32 $0x500, s0;
	s8 =	simm.s32 $0x80  }
0xf: {  	s23 =	simm.s32 $0x8080;
	s24 =	sadd.s32 $0x200, s7;
	s6 =	smax.u32 s6, $0x1  }
0x10: {  	v2 =	vlaneseq.u32;
	s7 =	simm.s32 $0x2;
	[dreg:$0x3] =	wrdreg s24;
	s25 =	sadd.s32 s5, s9  }
0x11: {  	vm0 =	vmmov $0xffff;
	v1 =	vshrl.u32 v2, $0x3;
	s5 =	sadd.s32 $0x600, s0;
	s9 =	simm.s32 $0x1080;
	s24 =	simm.s32 $0x8880  }
0x12: {  	v0 =	vand.u32 $0x7, v2;
	v2 =	vor.u32 $0x8, v2;
	v1 =	vmul.u32 $0x8, v1;
	s0 =	simm.s32 $0x1;
	[dreg:$0x4] =	wrdreg s25;
	s25 =	simm.s32 $0x9080  }
.LBB2_1:
0x13: {  	s1 =	rddreg [dreg:$0x3]  }
0x14: {  	[tilespmem:s2], [sflag:$0x2] =	stream.linear.gather [hbm4b:s1+s2], $0x40, $0x38;
	[tilespmem:$0xC080] =	vst v63  }
0x15: {  	_ =	swait.ge [sflag:s7], $0x40  }
0x16: {  	[sflag:s7] =	ssyncset.done $0x0  }
0x17: {  	[sflag:s7] =	ssyncadd.s32 $0xFFFFFFC0  }
0x18: {  	v3 =	vld [tilespmem:$0x0];
	_ =	sdelay $0x4  }
0x19: {  	v4 =	vshrl.u32 v3, $0x3  }
0x1a: {  	v4 =	vmul.u32 $0x30, v4  }
0x1b: {  	v3 =	vand.u32 $0x7, v3  }
0x1c: {  	v3 =	vor.u32 v3, v4  }
0x1d: {  	v4 =	vperm.xlane v3, v0;
	_ =	sdelay $0x1  }
0x1e: {  	v4 =	vadd.s32 v1, v4;
	_ =	sdelay $0x3  }
0x1f: {  	v3 =	vperm.xlane v3, v2  }
0x20: {  	[tilespmem:s8], [sflag:$0x1] =	stream.indirect_vreg.gather [hbm4b:s3+s2], $0x80, v4, vm0, $0xb8;
	[tilespmem:$0xC080] =	vst v63  }
0x21: {  	s1 =	rddreg [dreg:$0x5];
	v3 =	vadd.s32 v1, v3  }
0x22: {  	[tilespmem:s1], [sflag:$0x1] =	stream.indirect_vreg.gather [hbm4b:s4+s2], $0x80, v4, vm0, $0xb8;
	[tilespmem:$0xC080] =	vst v63  }
0x23: {  	_ = 	snop  }
0x24: {  	[tilespmem:s9], [sflag:$0x1] =	stream.indirect_vreg.gather [hbm4b:s5+s2], $0x80, v4, vm0, $0xb8;
	[tilespmem:$0xC080] =	vst v63  }
0x25: {  	_ = 	snop  }
0x26: {  	[tilespmem:s10], [sflag:$0x1] =	stream.indirect_vreg.gather [hbm4b:s3+s2], $0x80, v3, vm0, $0xb8;
	[tilespmem:$0xC080] =	vst v63  }
0x27: {  	_ = 	snop  }
0x28: {  	[tilespmem:s11], [sflag:$0x1] =	stream.indirect_vreg.gather [hbm4b:s4+s2], $0x80, v3, vm0, $0xb8;
	[tilespmem:$0xC080] =	vst v63  }
0x29: {  	_ = 	snop  }
0x2a: {  	[tilespmem:s12], [sflag:$0x1] =	stream.indirect_vreg.gather [hbm4b:s5+s2], $0x80, v3, vm0, $0xb8;
	[tilespmem:$0xC080] =	vst v63  }
0x2b: {  	v3 =	vld [tilespmem:$0x10];
	_ =	sdelay $0x4  }
0x2c: {  	v61 =	vshrl.u32 v3, $0x3  }
0x2d: {  	v4 =	vmul.u32 $0x30, v61  }
0x2e: {  	v3 =	vand.u32 $0x7, v3  }
0x2f: {  	v3 =	vor.u32 v3, v4  }
0x30: {  	v4 =	vperm.xlane v3, v0;
	_ =	sdelay $0x1  }
0x31: {  	v4 =	vadd.s32 v1, v4;
	_ =	sdelay $0x3  }
0x32: {  	v3 =	vperm.xlane v3, v2  }
0x33: {  	[tilespmem:s13], [sflag:$0x1] =	stream.indirect_vreg.gather [hbm4b:s3+s2], $0x80, v4, vm0, $0xb8;
	[tilespmem:$0xC080] =	vst v63  }
0x34: {  	v3 =	vadd.s32 v1, v3  }
0x35: {  	[tilespmem:s14], [sflag:$0x1] =	stream.indirect_vreg.gather [hbm4b:s4+s2], $0x80, v4, vm0, $0xb8;
	[tilespmem:$0xC080] =	vst v63  }
0x36: {  	_ = 	snop  }
0x37: {  	[tilespmem:s15], [sflag:$0x1] =	stream.indirect_vreg.gather [hbm4b:s5+s2], $0x80, v4, vm0, $0xb8;
	[tilespmem:$0xC080] =	vst v63  }
0x38: {  	_ = 	snop  }
0x39: {  	[tilespmem:s16], [sflag:$0x1] =	stream.indirect_vreg.gather [hbm4b:s3+s2], $0x80, v3, vm0, $0xb8;
	[tilespmem:$0xC080] =	vst v63  }
0x3a: {  	_ = 	snop  }
0x3b: {  	[tilespmem:s17], [sflag:$0x1] =	stream.indirect_vreg.gather [hbm4b:s4+s2], $0x80, v3, vm0, $0xb8;
	[tilespmem:$0xC080] =	vst v63  }
0x3c: {  	_ = 	snop  }
0x3d: {  	[tilespmem:s18], [sflag:$0x1] =	stream.indirect_vreg.gather [hbm4b:s5+s2], $0x80, v3, vm0, $0xb8;
	[tilespmem:$0xC080] =	vst v63  }
0x3e: {  	v3 =	vld [tilespmem:$0x20];
	_ =	sdelay $0x4  }
0x3f: {  	v62 =	vshrl.u32 v3, $0x3  }
0x40: {  	v4 =	vmul.u32 $0x30, v62  }
0x41: {  	v3 =	vand.u32 $0x7, v3  }
0x42: {  	v3 =	vor.u32 v3, v4  }
0x43: {  	v4 =	vperm.xlane v3, v0;
	_ =	sdelay $0x1  }
0x44: {  	v4 =	vadd.s32 v1, v4;
	_ =	sdelay $0x3  }
0x45: {  	v3 =	vperm.xlane v3, v2  }
0x46: {  	[tilespmem:s19], [sflag:$0x1] =	stream.indirect_vreg.gather [hbm4b:s3+s2], $0x80, v4, vm0, $0xb8;
	[tilespmem:$0xC080] =	vst v63  }
0x47: {  	v3 =	vadd.s32 v1, v3  }
0x48: {  	[tilespmem:s20], [sflag:$0x1] =	stream.indirect_vreg.gather [hbm4b:s4+s2], $0x80, v4, vm0, $0xb8;
	[tilespmem:$0xC080] =	vst v63  }
0x49: {  	_ = 	snop  }
0x4a: {  	[tilespmem:s21], [sflag:$0x1] =	stream.indirect_vreg.gather [hbm4b:s5+s2], $0x80, v4, vm0, $0xb8;
	[tilespmem:$0xC080] =	vst v63  }
0x4b: {  	_ = 	snop  }
0x4c: {  	[tilespmem:s22], [sflag:$0x1] =	stream.indirect_vreg.gather [hbm4b:s3+s2], $0x80, v3, vm0, $0xb8;
	[tilespmem:$0xC080] =	vst v63  }
0x4d: {  	_ = 	snop  }
0x4e: {  	[tilespmem:s23], [sflag:$0x1] =	stream.indirect_vreg.gather [hbm4b:s4+s2], $0x80, v3, vm0, $0xb8;
	[tilespmem:$0xC080] =	vst v63  }
0x4f: {  	_ = 	snop  }
0x50: {  	[tilespmem:s24], [sflag:$0x1] =	stream.indirect_vreg.gather [hbm4b:s5+s2], $0x80, v3, vm0, $0xb8;
	[tilespmem:$0xC080] =	vst v63  }
0x51: {  	v3 =	vld [tilespmem:$0x30];
	_ =	sdelay $0x4  }
0x52: {  	v63 =	vshrl.u32 v3, $0x3  }
0x53: {  	v4 =	vmul.u32 $0x30, v63  }
0x54: {  	v3 =	vand.u32 $0x7, v3  }
0x55: {  	v3 =	vor.u32 v3, v4  }
0x56: {  	v4 =	vperm.xlane v3, v0;
	_ =	sdelay $0x1  }
0x57: {  	v4 =	vadd.s32 v1, v4;
	_ =	sdelay $0x3  }
0x58: {  	v3 =	vperm.xlane v3, v2  }
0x59: {  	[tilespmem:s25], [sflag:$0x1] =	stream.indirect_vreg.gather [hbm4b:s3+s2], $0x80, v4, vm0, $0xb8;
	[tilespmem:$0xC080] =	vst v63  }
0x5a: {  	v3 =	vadd.s32 v1, v3  }
0x5b: {  	[tilespmem:s26], [sflag:$0x1] =	stream.indirect_vreg.gather [hbm4b:s4+s2], $0x80, v4, vm0, $0xb8;
	[tilespmem:$0xC080] =	vst v63  }
0x5c: {  	_ = 	snop  }
0x5d: {  	[tilespmem:s28], [sflag:$0x1] =	stream.indirect_vreg.gather [hbm4b:s5+s2], $0x80, v4, vm0, $0xb8;
	[tilespmem:$0xC080] =	vst v63  }
0x5e: {  	_ = 	snop  }
0x5f: {  	[tilespmem:s29], [sflag:$0x1] =	stream.indirect_vreg.gather [hbm4b:s3+s2], $0x80, v3, vm0, $0xb8;
	[tilespmem:$0xC080] =	vst v63  }
0x60: {  	_ = 	snop  }
0x61: {  	[tilespmem:s30], [sflag:$0x1] =	stream.indirect_vreg.gather [hbm4b:s4+s2], $0x80, v3, vm0, $0xb8;
	[tilespmem:$0xC080] =	vst v63  }
0x62: {  	_ = 	snop  }
0x63: {  	[tilespmem:s31], [sflag:$0x1] =	stream.indirect_vreg.gather [hbm4b:s5+s2], $0x80, v3, vm0, $0xb8;
	[tilespmem:$0xC080] =	vst v63  }
0x64: {  	_ =	swait.ge [sflag:s0], $0xC000  }
0x65: {  	p0 =	sne.s32 s6, $0x1;
	[sflag:s0] =	ssyncset.done $0x0  }
.Ltmp0:
0x66: {  	s1 =	rddreg [dreg:$0x4];
	[sflag:s0] =	ssyncadd.s32 $0xFFFF4000;
	(pc) =	sbr.rel @p0 .LBB2_1-.Ltmp0, $4  }
0x67: {  	[hbm4b:s1+s2] =	stream.linear.scatter [tilespmem:s8], [sflag:$0x2], $0xC000, $0x38;
	[tilespmem:$0xC080] =	vst v63  }
0x68: {  	_ =	swait.ge [sflag:s7], $0xC000  }
0x69: {  	[sflag:s7] =	ssyncset.done $0x0  }
0x6a: {  	s6 =	sadd.s32 $0xFFFFFFFF, s6;
	[sflag:s7] =	ssyncadd.s32 $0xFFFF4000  }
0x6b: {  	_ =	sfence.sel $0x180000  }
0x6c: {  	[bflag:$0x0] =	sbarrier.arrive $0xFFFF  }
0x6d: {  	_ =	strace $0x9000004D  }
0x6e: {  	s0 =	stileid.u32;
	[bflag:$0x2] =	sbarrier.arrive $0xFFFF  }
0x6f: {  	p0 =	sne.s32 s0, $0x0;
	s0 =	rddreg [dreg:$0x2]  }
0x70: {  	s0 =	sadd.s32 @!p0 $0x100000, s0  }
0x71: {  	[sflag:s0] =	ssyncadd.tile.s32 @!p0 $0x1;
	_ =	shalt  }
.Lfunc_end2:
_tile_overlayer_lowered:
.L_overlay_start_2:
0x72: {  	(tag) =	ssettag $0x2  }
0x73: {  	s0 =	rddreg [dreg:$0x0];
	s2 =	stileid.u32  }
0x74: {  	s1 =	rddreg [dreg:$0x1];
	p0 =	sne.s32 s2, $0x0  }
0x75: {  	s3 =	rddreg [dreg:$0x2];
	[bflag:$0x3] =	sbarrier.arrive $0xFFFF;
	s2 =	simm.s32 @!p0 $0x1C02  }
0x76: {  	[timem:s3], [sflag:s2] =	dma.local @!p0 [hbm:s0], s1  }
0x77: {  	s0 =	simm.s32 @!p0 $0x2  }
0x78: {  	_ =	swait.ge @!p0 [sflag:s0], s1  }
0x79: {  	s1 =	ssub.s32 @!p0 $0x0, s1;
	[sflag:s0] =	ssyncset.done @!p0 $0x0  }
0x7a: {  	[sflag:s0] =	ssyncadd.s32 @!p0 s1  }
0x7b: {  	[bflag:$0x3] =	sbarrier.arrive $0xFFFF  }
0x7c: {  	_ =	shalt  }

</sc_bundles>
